<compile_context>
chip_gen: v7x
topology: tpu7x:2x2x1
jax: 0.10.2.dev20260603
libtpu: 0.0.44.dev20260713+nightly
codegen_flags: <defaults>
</compile_context>

<pallas_src>
import dataclasses
import functools

import jax
import jax.numpy as jnp
from jax import lax
from jax.experimental import pallas as pl
from jax.experimental.pallas import tpu as pltpu
from jax.experimental.pallas import tpu_sc as plsc

VOCAB = 30522
HIDDEN = 768
MAX_POS = 512
BATCH = 32
SEQ = 512
EPS = 1e-12

NC = 2
NS = 16
NW = NC * NS

CHUNKS = (12, 8, 8, 4)
G = 64

LN_ROWS = 512


def _sc_gather(word_emb, idx1, tok0, n_gathers):
    b_per_w = n_gathers * G
    n_tok = b_per_w * NW
    mesh = plsc.VectorSubcoreMesh(core_axis_name="c", subcore_axis_name="s")
    cp = pltpu.CompilerParams()
    if "needs_layout_passes" in pltpu.CompilerParams.__dataclass_fields__:
        cp = dataclasses.replace(cp, needs_layout_passes=False)

    @functools.partial(
        pl.kernel,
        mesh=mesh,
        compiler_params=cp,
        out_type=jax.ShapeDtypeStruct((n_tok, HIDDEN), jnp.float32),
        scratch_types=[
            pltpu.VMEM((n_gathers * G,), jnp.int32),
            pltpu.VMEM((G, HIDDEN), jnp.float32),
            pltpu.VMEM((G, HIDDEN), jnp.float32),
            pltpu.SemaphoreType.DMA,
            pltpu.SemaphoreType.DMA,
        ],
    )
    def k(table_hbm, idx_hbm, out_hbm, idx_v, rows0, rows1, gsem0, gsem1):
        NCHUNK = n_gathers
        wid = lax.axis_index("s") * NC + lax.axis_index("c")
        base = wid * b_per_w
        pltpu.sync_copy(idx_hbm.at[pl.ds(tok0 + wid * b_per_w, b_per_w)],
                        idx_v)
        rows = (rows0, rows1)
        gsems = (gsem0, gsem1)
        gathers = [None] * NCHUNK
        gathers[0] = pltpu.async_copy(
            table_hbm.at[idx_v.at[pl.ds(0, G)]], rows[0], gsems[0])
        for j in range(NCHUNK):
            if j + 1 < NCHUNK:
                gathers[j + 1] = pltpu.async_copy(
                    table_hbm.at[idx_v.at[pl.ds((j + 1) * G, G)]],
                    rows[(j + 1) % 2],
                    gsems[(j + 1) % 2],
                )
            gathers[j].wait()
            pltpu.sync_copy(rows[j % 2], out_hbm.at[pl.ds(base + j * G, G)])

    return k(word_emb, idx1)


def _ln_body(g_ref, p_ref, gamma_ref, beta_ref, o_ref):
    x = g_ref[...] + p_ref[...]
    mu = jnp.mean(x, axis=1, keepdims=True)
    msq = jnp.mean(x * x, axis=1, keepdims=True)
    var = msq - mu * mu
    scale = lax.rsqrt(var + EPS) * gamma_ref[...]
    shift = beta_ref[...] - mu * scale
    o_ref[...] = (x * scale + shift)[None]


def _tc_add_ln(acc, gathered, pos_emb, gamma, beta, b_off, b_ch):
    rps = SEQ // LN_ROWS
    data_specs = [
        pl.BlockSpec((LN_ROWS, HIDDEN), lambda i: (i, 0)),
        pl.BlockSpec((LN_ROWS, HIDDEN), lambda i: (i % rps, 0)),
        pl.BlockSpec((1, HIDDEN), lambda i: (0, 0)),
        pl.BlockSpec((1, HIDDEN), lambda i: (0, 0)),
    ]
    if acc is None:
        in_specs, args, aliases, body = data_specs, (), {}, _ln_body
    else:
        def body(acc_ref, *refs):
            del acc_ref
            _ln_body(*refs)

        in_specs = [pl.BlockSpec(memory_space=pl.ANY)] + data_specs
        args, aliases = (acc,), {0: 0}
    return pl.pallas_call(
        body,
        grid=(b_ch * rps,),
        in_specs=in_specs,
        out_specs=pl.BlockSpec(
            (1, LN_ROWS, HIDDEN),
            lambda i, _b=b_off: (_b + i // rps, i % rps, 0),
        ),
        out_shape=jax.ShapeDtypeStruct((BATCH, SEQ, HIDDEN), jnp.float32),
        input_output_aliases=aliases,
    )(*args, gathered, pos_emb, gamma, beta)


def kernel(input_ids, token_type_ids, word_emb, pos_emb, ln_gamma, ln_beta):
    del token_type_ids
    idx1 = input_ids.astype(jnp.int32).reshape(-1)
    gamma = ln_gamma.reshape(1, HIDDEN)
    beta = ln_beta.reshape(1, HIDDEN)
    gathered = []
    tok0 = 0
    for b_ch in CHUNKS:
        n_tok = b_ch * SEQ
        assert n_tok % (NW * G) == 0, "chunk tokens must split evenly"
        n_gathers = n_tok // (NW * G)
        gathered.append(_sc_gather(word_emb, idx1, tok0, n_gathers))
        tok0 += n_tok
    acc = None
    b_off = 0
    for k, b_ch in enumerate(CHUNKS):
        acc = _tc_add_ln(acc, gathered[k], pos_emb, gamma, beta,
                         b_off, b_ch)
        b_off += b_ch
    return acc

# --- scband reference (transcript-rebuilt; emitter-appended) ---
"""Pipeline reference for scband-distil-bert-embeddings-86517821212095 (READ-ONLY COPY).

The authoritative reference and input builder live on the scoring server;
editing this copy changes nothing except your own understanding.
"""

import jax, jax.numpy as jnp
import numpy as np

VOCAB = 30522
HIDDEN = 768
MAX_POS = 512
BATCH = 32
SEQ = 512
EPS = 1e-12


def setup_inputs(seed: int = 0) -> dict:
    key = jax.random.key(seed)
    k1, k2, k3, k4 = jax.random.split(key, 4)
    input_ids = jax.random.randint(k1, (BATCH, SEQ), 0, VOCAB, dtype=jnp.int64 if jax.config.jax_enable_x64 else jnp.int32)
    token_type_ids = jax.random.randint(k2, (BATCH, SEQ), 0, 2, dtype=jnp.int64 if jax.config.jax_enable_x64 else jnp.int32)
    word_emb = jax.random.normal(k3, (VOCAB, HIDDEN), dtype=jnp.float32) * 0.02
    word_emb = word_emb.at[0].set(0.0)  # padding_idx=0
    pos_emb = jax.random.normal(k4, (MAX_POS, HIDDEN), dtype=jnp.float32) * 0.02
    ln_gamma = jnp.ones((HIDDEN,), dtype=jnp.float32)
    ln_beta = jnp.zeros((HIDDEN,), dtype=jnp.float32)
    return {
        "input_ids": input_ids,
        "token_type_ids": token_type_ids,
        "word_emb": word_emb,
        "pos_emb": pos_emb,
        "ln_gamma": ln_gamma,
        "ln_beta": ln_beta,
    }


def reference(input_ids, token_type_ids, word_emb, pos_emb, ln_gamma, ln_beta):
    # token_type_ids is accepted but not used (matches the torch module).
    seq_length = input_ids.shape[1]
    position_ids = jnp.arange(seq_length)[None, :]  # (1, S), broadcasts over batch
    # embedding lookups -> SparseCore gathers
    word_embeddings = jnp.take(word_emb, input_ids, axis=0)          # (B, S, H)
    position_embeddings = jnp.take(pos_emb, position_ids, axis=0)    # (1, S, H)
    embeddings = word_embeddings + position_embeddings               # (B, S, H)
    # LayerNorm(eps=1e-12)
    mu = jnp.mean(embeddings, axis=-1, keepdims=True)
    var = jnp.mean(jnp.square(embeddings - mu), axis=-1, keepdims=True)
    normed = (embeddings - mu) / jnp.sqrt(var + EPS)
    out = normed * ln_gamma + ln_beta
    # dropout is identity in eval/reference mode
    return out

if __name__ == "__main__":
    import jax
    _d = setup_inputs()
    print(jax.jit(kernel)(*tuple(_d.values())))

</pallas_src>

<mosaic_0001>
#map = affine_map<(d0, d1) -> (0, 0)>
#map1 = affine_map<(d0, d1) -> (0)>
module attributes {stable_mosaic.version = 14 : i64} {
  func.func @k(%arg0: i32, %arg1: i32, %arg2: memref<30522x768xf32, #tpu.memory_space<hbm>>, %arg3: memref<16384xi32, #tpu.memory_space<hbm>>, %arg4: memref<2048x768xf32, #tpu.memory_space<hbm>>, %arg5: memref<64xi32, #tpu.memory_space<vmem>>, %arg6: memref<64x768xf32, #tpu.memory_space<vmem>>, %arg7: memref<64x768xf32, #tpu.memory_space<vmem>>, %arg8: memref<!tpu.dma_semaphore, #tpu.memory_space<semaphore_mem>>, %arg9: memref<!tpu.dma_semaphore, #tpu.memory_space<semaphore_mem>>) attributes {dimension_semantics = [#tpu.dimension_semantics<core_parallel>, #tpu.dimension_semantics<subcore_parallel>], iteration_bounds = array<i64: 2, 16>, scalar_prefetch = 0 : i64, scratch_operands = 5 : i64, tpu.core_type = #tpu.core_type<sc_vector_subcore>, window_params = [{transform_indices = #map}, {transform_indices = #map1}, {transform_indices = #map}]} {
    %mul3A = arith.constant 2 : i32
    %mul3A_0 = arith.muli %arg1, %mul3A : i32
    %add3A = arith.addi %mul3A_0, %arg0 : i32
    %mul3A_1 = arith.constant 64 : i32
    %mul3A_2 = arith.muli %add3A, %mul3A_1 : i32
    %mul3A_3 = arith.constant 64 : i32
    %mul3A_4 = arith.muli %add3A, %mul3A_3 : i32
    %add3A_5 = arith.constant 14336 : i32
    %add3A_6 = arith.addi %add3A_5, %mul3A_4 : i32
    "tpu.region"() ({
      %run_scoped3A = tpu.sem_alloc : memref<!tpu.dma_semaphore, #tpu.memory_space<semaphore_mem>>
      %dma_start3A_17 = tpu.memref_slice %arg3[%add3A_6] : memref<16384xi32, #tpu.memory_space<hbm>> -> memref<64xi32, #tpu.memory_space<hbm>>
      %dma_start3A_18 = tpu.memref_slice %arg3[%add3A_6] : memref<16384xi32, #tpu.memory_space<hbm>> -> memref<64xi32, #tpu.memory_space<hbm>>
      tpu.enqueue_dma source(%dma_start3A_18 : memref<64xi32, #tpu.memory_space<hbm>>) target(%arg5 : memref<64xi32, #tpu.memory_space<vmem>>) target_semaphore(%run_scoped3A : memref<!tpu.dma_semaphore, #tpu.memory_space<semaphore_mem>>)
      %dma_wait3A_19 = tpu.memref_slice %arg3[%add3A_6] : memref<16384xi32, #tpu.memory_space<hbm>> -> memref<64xi32, #tpu.memory_space<hbm>>
      %dma_wait3A_20 = tpu.memref_slice %arg3[%add3A_6] : memref<16384xi32, #tpu.memory_space<hbm>> -> memref<64xi32, #tpu.memory_space<hbm>>
      tpu.wait_dma2 semaphore(%run_scoped3A : memref<!tpu.dma_semaphore, #tpu.memory_space<semaphore_mem>>) src(%dma_wait3A_20 : memref<64xi32, #tpu.memory_space<hbm>>) dst(%arg5 : memref<64xi32, #tpu.memory_space<vmem>>)
      tpu.yield
    }) : () -> ()
    %dma_start3A = arith.constant 0 : i32
    %dma_start3A_7 = tpu.memref_slice %arg5[%dma_start3A] : memref<64xi32, #tpu.memory_space<vmem>> -> memref<64xi32, #tpu.memory_space<vmem>>
    %dma_start3A_8 = arith.constant 0 : i32
    %dma_start3A_9 = arith.constant 0 : i32
    %dma_start3A_10 = tpu.memref_slice %arg2[%dma_start3A_8, %dma_start3A_9] : memref<30522x768xf32, #tpu.memory_space<hbm>> -> memref<30522x768xf32, #tpu.memory_space<hbm>>
    tpu.enqueue_indirect_dma source(%dma_start3A_10 : memref<30522x768xf32, #tpu.memory_space<hbm>>) target(%arg6 : memref<64x768xf32, #tpu.memory_space<vmem>>) offsets(%dma_start3A_7 : memref<64xi32, #tpu.memory_space<vmem>>) semaphore(%arg8 : memref<!tpu.dma_semaphore, #tpu.memory_space<semaphore_mem>>)
    %dma_wait3A = arith.constant 0 : i32
    %dma_wait3A_11 = tpu.memref_slice %arg5[%dma_wait3A] : memref<64xi32, #tpu.memory_space<vmem>> -> memref<64xi32, #tpu.memory_space<vmem>>
    %dma_wait3A_12 = arith.constant 0 : i32
    %dma_wait3A_13 = arith.constant 0 : i32
    %dma_wait3A_14 = tpu.memref_slice %arg2[%dma_wait3A_12, %dma_wait3A_13] : memref<30522x768xf32, #tpu.memory_space<hbm>> -> memref<30522x768xf32, #tpu.memory_space<hbm>>
    tpu.wait_indirect_dma semaphore(%arg8 : memref<!tpu.dma_semaphore, #tpu.memory_space<semaphore_mem>>) src(%dma_wait3A_14 : memref<30522x768xf32, #tpu.memory_space<hbm>>) dst(%arg6 : memref<64x768xf32, #tpu.memory_space<vmem>>)
    %add3A_15 = arith.constant 0 : i32
    %add3A_16 = arith.addi %mul3A_2, %add3A_15 : i32
    "tpu.region"() ({
      %run_scoped3A = tpu.sem_alloc : memref<!tpu.dma_semaphore, #tpu.memory_space<semaphore_mem>>
      %dma_start3A_17 = arith.constant 0 : i32
      %dma_start3A_18 = tpu.memref_slice %arg4[%add3A_16, %dma_start3A_17] : memref<2048x768xf32, #tpu.memory_space<hbm>> -> memref<64x768xf32, #tpu.memory_space<hbm>>
      %dma_start3A_19 = arith.constant 0 : i32
      %dma_start3A_20 = tpu.memref_slice %arg4[%add3A_16, %dma_start3A_19] : memref<2048x768xf32, #tpu.memory_space<hbm>> -> memref<64x768xf32, #tpu.memory_space<hbm>>
      tpu.enqueue_dma source(%arg6 : memref<64x768xf32, #tpu.memory_space<vmem>>) target(%dma_start3A_20 : memref<64x768xf32, #tpu.memory_space<hbm>>) target_semaphore(%run_scoped3A : memref<!tpu.dma_semaphore, #tpu.memory_space<semaphore_mem>>)
      %dma_wait3A_21 = arith.constant 0 : i32
      %dma_wait3A_22 = tpu.memref_slice %arg4[%add3A_16, %dma_wait3A_21] : memref<2048x768xf32, #tpu.memory_space<hbm>> -> memref<64x768xf32, #tpu.memory_space<hbm>>
      %dma_wait3A_23 = arith.constant 0 : i32
      %dma_wait3A_24 = tpu.memref_slice %arg4[%add3A_16, %dma_wait3A_23] : memref<2048x768xf32, #tpu.memory_space<hbm>> -> memref<64x768xf32, #tpu.memory_space<hbm>>
      tpu.wait_dma2 semaphore(%run_scoped3A : memref<!tpu.dma_semaphore, #tpu.memory_space<semaphore_mem>>) src(%arg6 : memref<64x768xf32, #tpu.memory_space<vmem>>) dst(%dma_wait3A_24 : memref<64x768xf32, #tpu.memory_space<hbm>>)
      tpu.yield
    }) : () -> ()
    return
  }
}

#map = affine_map<(d0, d1) -> (0, 0)>
#map1 = affine_map<(d0, d1) -> (0)>
module attributes {stable_mosaic.version = 14 : i64} {
  func.func @k(%arg0: i32, %arg1: i32, %arg2: memref<30522x768xf32, #tpu.memory_space<hbm>>, %arg3: memref<16384xi32, #tpu.memory_space<hbm>>, %arg4: memref<4096x768xf32, #tpu.memory_space<hbm>>, %arg5: memref<128xi32, #tpu.memory_space<vmem>>, %arg6: memref<64x768xf32, #tpu.memory_space<vmem>>, %arg7: memref<64x768xf32, #tpu.memory_space<vmem>>, %arg8: memref<!tpu.dma_semaphore, #tpu.memory_space<semaphore_mem>>, %arg9: memref<!tpu.dma_semaphore, #tpu.memory_space<semaphore_mem>>) attributes {dimension_semantics = [#tpu.dimension_semantics<core_parallel>, #tpu.dimension_semantics<subcore_parallel>], iteration_bounds = array<i64: 2, 16>, scalar_prefetch = 0 : i64, scratch_operands = 5 : i64, tpu.core_type = #tpu.core_type<sc_vector_subcore>, window_params = [{transform_indices = #map}, {transform_indices = #map1}, {transform_indices = #map}]} {
    %mul3A = arith.constant 2 : i32
    %mul3A_0 = arith.muli %arg1, %mul3A : i32
    %add3A = arith.addi %mul3A_0, %arg0 : i32
    %mul3A_1 = arith.constant 128 : i32
    %mul3A_2 = arith.muli %add3A, %mul3A_1 : i32
    %mul3A_3 = arith.constant 128 : i32
    %mul3A_4 = arith.muli %add3A, %mul3A_3 : i32
    %add3A_5 = arith.constant 6144 : i32
    %add3A_6 = arith.addi %add3A_5, %mul3A_4 : i32
    "tpu.region"() ({
      %run_scoped3A = tpu.sem_alloc : memref<!tpu.dma_semaphore, #tpu.memory_space<semaphore_mem>>
      %dma_start3A_29 = tpu.memref_slice %arg3[%add3A_6] : memref<16384xi32, #tpu.memory_space<hbm>> -> memref<128xi32, #tpu.memory_space<hbm>>
      %dma_start3A_30 = tpu.memref_slice %arg3[%add3A_6] : memref<16384xi32, #tpu.memory_space<hbm>> -> memref<128xi32, #tpu.memory_space<hbm>>
      tpu.enqueue_dma source(%dma_start3A_30 : memref<128xi32, #tpu.memory_space<hbm>>) target(%arg5 : memref<128xi32, #tpu.memory_space<vmem>>) target_semaphore(%run_scoped3A : memref<!tpu.dma_semaphore, #tpu.memory_space<semaphore_mem>>)
      %dma_wait3A_31 = tpu.memref_slice %arg3[%add3A_6] : memref<16384xi32, #tpu.memory_space<hbm>> -> memref<128xi32, #tpu.memory_space<hbm>>
      %dma_wait3A_32 = tpu.memref_slice %arg3[%add3A_6] : memref<16384xi32, #tpu.memory_space<hbm>> -> memref<128xi32, #tpu.memory_space<hbm>>
      tpu.wait_dma2 semaphore(%run_scoped3A : memref<!tpu.dma_semaphore, #tpu.memory_space<semaphore_mem>>) src(%dma_wait3A_32 : memref<128xi32, #tpu.memory_space<hbm>>) dst(%arg5 : memref<128xi32, #tpu.memory_space<vmem>>)
      tpu.yield
    }) : () -> ()
    %dma_start3A = arith.constant 0 : i32
    %dma_start3A_7 = tpu.memref_slice %arg5[%dma_start3A] : memref<128xi32, #tpu.memory_space<vmem>> -> memref<64xi32, #tpu.memory_space<vmem>>
    %dma_start3A_8 = arith.constant 0 : i32
    %dma_start3A_9 = arith.constant 0 : i32
    %dma_start3A_10 = tpu.memref_slice %arg2[%dma_start3A_8, %dma_start3A_9] : memref<30522x768xf32, #tpu.memory_space<hbm>> -> memref<30522x768xf32, #tpu.memory_space<hbm>>
    tpu.enqueue_indirect_dma source(%dma_start3A_10 : memref<30522x768xf32, #tpu.memory_space<hbm>>) target(%arg6 : memref<64x768xf32, #tpu.memory_space<vmem>>) offsets(%dma_start3A_7 : memref<64xi32, #tpu.memory_space<vmem>>) semaphore(%arg8 : memref<!tpu.dma_semaphore, #tpu.memory_space<semaphore_mem>>)
    %dma_start3A_11 = arith.constant 64 : i32
    %dma_start3A_12 = tpu.memref_slice %arg5[%dma_start3A_11] : memref<128xi32, #tpu.memory_space<vmem>> -> memref<64xi32, #tpu.memory_space<vmem>>
    %dma_start3A_13 = arith.constant 0 : i32
    %dma_start3A_14 = arith.constant 0 : i32
    %dma_start3A_15 = tpu.memref_slice %arg2[%dma_start3A_13, %dma_start3A_14] : memref<30522x768xf32, #tpu.memory_space<hbm>> -> memref<30522x768xf32, #tpu.memory_space<hbm>>
    tpu.enqueue_indirect_dma source(%dma_start3A_15 : memref<30522x768xf32, #tpu.memory_space<hbm>>) target(%arg7 : memref<64x768xf32, #tpu.memory_space<vmem>>) offsets(%dma_start3A_12 : memref<64xi32, #tpu.memory_space<vmem>>) semaphore(%arg9 : memref<!tpu.dma_semaphore, #tpu.memory_space<semaphore_mem>>)
    %dma_wait3A = arith.constant 0 : i32
    %dma_wait3A_16 = tpu.memref_slice %arg5[%dma_wait3A] : memref<128xi32, #tpu.memory_space<vmem>> -> memref<64xi32, #tpu.memory_space<vmem>>
    %dma_wait3A_17 = arith.constant 0 : i32
    %dma_wait3A_18 = arith.constant 0 : i32
    %dma_wait3A_19 = tpu.memref_slice %arg2[%dma_wait3A_17, %dma_wait3A_18] : memref<30522x768xf32, #tpu.memory_space<hbm>> -> memref<30522x768xf32, #tpu.memory_space<hbm>>
    tpu.wait_indirect_dma semaphore(%arg8 : memref<!tpu.dma_semaphore, #tpu.memory_space<semaphore_mem>>) src(%dma_wait3A_19 : memref<30522x768xf32, #tpu.memory_space<hbm>>) dst(%arg6 : memref<64x768xf32, #tpu.memory_space<vmem>>)
    %add3A_20 = arith.constant 0 : i32
    %add3A_21 = arith.addi %mul3A_2, %add3A_20 : i32
    "tpu.region"() ({
      %run_scoped3A = tpu.sem_alloc : memref<!tpu.dma_semaphore, #tpu.memory_space<semaphore_mem>>
      %dma_start3A_29 = arith.constant 0 : i32
      %dma_start3A_30 = tpu.memref_slice %arg4[%add3A_21, %dma_start3A_29] : memref<4096x768xf32, #tpu.memory_space<hbm>> -> memref<64x768xf32, #tpu.memory_space<hbm>>
      %dma_start3A_31 = arith.constant 0 : i32
      %dma_start3A_32 = tpu.memref_slice %arg4[%add3A_21, %dma_start3A_31] : memref<4096x768xf32, #tpu.memory_space<hbm>> -> memref<64x768xf32, #tpu.memory_space<hbm>>
      tpu.enqueue_dma source(%arg6 : memref<64x768xf32, #tpu.memory_space<vmem>>) target(%dma_start3A_32 : memref<64x768xf32, #tpu.memory_space<hbm>>) target_semaphore(%run_scoped3A : memref<!tpu.dma_semaphore, #tpu.memory_space<semaphore_mem>>)
      %dma_wait3A_33 = arith.constant 0 : i32
      %dma_wait3A_34 = tpu.memref_slice %arg4[%add3A_21, %dma_wait3A_33] : memref<4096x768xf32, #tpu.memory_space<hbm>> -> memref<64x768xf32, #tpu.memory_space<hbm>>
      %dma_wait3A_35 = arith.constant 0 : i32
      %dma_wait3A_36 = tpu.memref_slice %arg4[%add3A_21, %dma_wait3A_35] : memref<4096x768xf32, #tpu.memory_space<hbm>> -> memref<64x768xf32, #tpu.memory_space<hbm>>
      tpu.wait_dma2 semaphore(%run_scoped3A : memref<!tpu.dma_semaphore, #tpu.memory_space<semaphore_mem>>) src(%arg6 : memref<64x768xf32, #tpu.memory_space<vmem>>) dst(%dma_wait3A_36 : memref<64x768xf32, #tpu.memory_space<hbm>>)
      tpu.yield
    }) : () -> ()
    %dma_wait3A_22 = arith.constant 64 : i32
    %dma_wait3A_23 = tpu.memref_slice %arg5[%dma_wait3A_22] : memref<128xi32, #tpu.memory_space<vmem>> -> memref<64xi32, #tpu.memory_space<vmem>>
    %dma_wait3A_24 = arith.constant 0 : i32
    %dma_wait3A_25 = arith.constant 0 : i32
    %dma_wait3A_26 = tpu.memref_slice %arg2[%dma_wait3A_24, %dma_wait3A_25] : memref<30522x768xf32, #tpu.memory_space<hbm>> -> memref<30522x768xf32, #tpu.memory_space<hbm>>
    tpu.wait_indirect_dma semaphore(%arg9 : memref<!tpu.dma_semaphore, #tpu.memory_space<semaphore_mem>>) src(%dma_wait3A_26 : memref<30522x768xf32, #tpu.memory_space<hbm>>) dst(%arg7 : memref<64x768xf32, #tpu.memory_space<vmem>>)
    %add3A_27 = arith.constant 64 : i32
    %add3A_28 = arith.addi %mul3A_2, %add3A_27 : i32
    "tpu.region"() ({
      %run_scoped3A = tpu.sem_alloc : memref<!tpu.dma_semaphore, #tpu.memory_space<semaphore_mem>>
      %dma_start3A_29 = arith.constant 0 : i32
      %dma_start3A_30 = tpu.memref_slice %arg4[%add3A_28, %dma_start3A_29] : memref<4096x768xf32, #tpu.memory_space<hbm>> -> memref<64x768xf32, #tpu.memory_space<hbm>>
      %dma_start3A_31 = arith.constant 0 : i32
      %dma_start3A_32 = tpu.memref_slice %arg4[%add3A_28, %dma_start3A_31] : memref<4096x768xf32, #tpu.memory_space<hbm>> -> memref<64x768xf32, #tpu.memory_space<hbm>>
      tpu.enqueue_dma source(%arg7 : memref<64x768xf32, #tpu.memory_space<vmem>>) target(%dma_start3A_32 : memref<64x768xf32, #tpu.memory_space<hbm>>) target_semaphore(%run_scoped3A : memref<!tpu.dma_semaphore, #tpu.memory_space<semaphore_mem>>)
      %dma_wait3A_33 = arith.constant 0 : i32
      %dma_wait3A_34 = tpu.memref_slice %arg4[%add3A_28, %dma_wait3A_33] : memref<4096x768xf32, #tpu.memory_space<hbm>> -> memref<64x768xf32, #tpu.memory_space<hbm>>
      %dma_wait3A_35 = arith.constant 0 : i32
      %dma_wait3A_36 = tpu.memref_slice %arg4[%add3A_28, %dma_wait3A_35] : memref<4096x768xf32, #tpu.memory_space<hbm>> -> memref<64x768xf32, #tpu.memory_space<hbm>>
      tpu.wait_dma2 semaphore(%run_scoped3A : memref<!tpu.dma_semaphore, #tpu.memory_space<semaphore_mem>>) src(%arg7 : memref<64x768xf32, #tpu.memory_space<vmem>>) dst(%dma_wait3A_36 : memref<64x768xf32, #tpu.memory_space<hbm>>)
      tpu.yield
    }) : () -> ()
    return
  }
}

#map = affine_map<(d0, d1) -> (0, 0)>
#map1 = affine_map<(d0, d1) -> (0)>
module attributes {stable_mosaic.version = 14 : i64} {
  func.func @k(%arg0: i32, %arg1: i32, %arg2: memref<30522x768xf32, #tpu.memory_space<hbm>>, %arg3: memref<16384xi32, #tpu.memory_space<hbm>>, %arg4: memref<4096x768xf32, #tpu.memory_space<hbm>>, %arg5: memref<128xi32, #tpu.memory_space<vmem>>, %arg6: memref<64x768xf32, #tpu.memory_space<vmem>>, %arg7: memref<64x768xf32, #tpu.memory_space<vmem>>, %arg8: memref<!tpu.dma_semaphore, #tpu.memory_space<semaphore_mem>>, %arg9: memref<!tpu.dma_semaphore, #tpu.memory_space<semaphore_mem>>) attributes {dimension_semantics = [#tpu.dimension_semantics<core_parallel>, #tpu.dimension_semantics<subcore_parallel>], iteration_bounds = array<i64: 2, 16>, scalar_prefetch = 0 : i64, scratch_operands = 5 : i64, tpu.core_type = #tpu.core_type<sc_vector_subcore>, window_params = [{transform_indices = #map}, {transform_indices = #map1}, {transform_indices = #map}]} {
    %mul3A = arith.constant 2 : i32
    %mul3A_0 = arith.muli %arg1, %mul3A : i32
    %add3A = arith.addi %mul3A_0, %arg0 : i32
    %mul3A_1 = arith.constant 128 : i32
    %mul3A_2 = arith.muli %add3A, %mul3A_1 : i32
    %mul3A_3 = arith.constant 128 : i32
    %mul3A_4 = arith.muli %add3A, %mul3A_3 : i32
    %add3A_5 = arith.constant 10240 : i32
    %add3A_6 = arith.addi %add3A_5, %mul3A_4 : i32
    "tpu.region"() ({
      %run_scoped3A = tpu.sem_alloc : memref<!tpu.dma_semaphore, #tpu.memory_space<semaphore_mem>>
      %dma_start3A_29 = tpu.memref_slice %arg3[%add3A_6] : memref<16384xi32, #tpu.memory_space<hbm>> -> memref<128xi32, #tpu.memory_space<hbm>>
      %dma_start3A_30 = tpu.memref_slice %arg3[%add3A_6] : memref<16384xi32, #tpu.memory_space<hbm>> -> memref<128xi32, #tpu.memory_space<hbm>>
      tpu.enqueue_dma source(%dma_start3A_30 : memref<128xi32, #tpu.memory_space<hbm>>) target(%arg5 : memref<128xi32, #tpu.memory_space<vmem>>) target_semaphore(%run_scoped3A : memref<!tpu.dma_semaphore, #tpu.memory_space<semaphore_mem>>)
      %dma_wait3A_31 = tpu.memref_slice %arg3[%add3A_6] : memref<16384xi32, #tpu.memory_space<hbm>> -> memref<128xi32, #tpu.memory_space<hbm>>
      %dma_wait3A_32 = tpu.memref_slice %arg3[%add3A_6] : memref<16384xi32, #tpu.memory_space<hbm>> -> memref<128xi32, #tpu.memory_space<hbm>>
      tpu.wait_dma2 semaphore(%run_scoped3A : memref<!tpu.dma_semaphore, #tpu.memory_space<semaphore_mem>>) src(%dma_wait3A_32 : memref<128xi32, #tpu.memory_space<hbm>>) dst(%arg5 : memref<128xi32, #tpu.memory_space<vmem>>)
      tpu.yield
    }) : () -> ()
    %dma_start3A = arith.constant 0 : i32
    %dma_start3A_7 = tpu.memref_slice %arg5[%dma_start3A] : memref<128xi32, #tpu.memory_space<vmem>> -> memref<64xi32, #tpu.memory_space<vmem>>
    %dma_start3A_8 = arith.constant 0 : i32
    %dma_start3A_9 = arith.constant 0 : i32
    %dma_start3A_10 = tpu.memref_slice %arg2[%dma_start3A_8, %dma_start3A_9] : memref<30522x768xf32, #tpu.memory_space<hbm>> -> memref<30522x768xf32, #tpu.memory_space<hbm>>
    tpu.enqueue_indirect_dma source(%dma_start3A_10 : memref<30522x768xf32, #tpu.memory_space<hbm>>) target(%arg6 : memref<64x768xf32, #tpu.memory_space<vmem>>) offsets(%dma_start3A_7 : memref<64xi32, #tpu.memory_space<vmem>>) semaphore(%arg8 : memref<!tpu.dma_semaphore, #tpu.memory_space<semaphore_mem>>)
    %dma_start3A_11 = arith.constant 64 : i32
    %dma_start3A_12 = tpu.memref_slice %arg5[%dma_start3A_11] : memref<128xi32, #tpu.memory_space<vmem>> -> memref<64xi32, #tpu.memory_space<vmem>>
    %dma_start3A_13 = arith.constant 0 : i32
    %dma_start3A_14 = arith.constant 0 : i32
    %dma_start3A_15 = tpu.memref_slice %arg2[%dma_start3A_13, %dma_start3A_14] : memref<30522x768xf32, #tpu.memory_space<hbm>> -> memref<30522x768xf32, #tpu.memory_space<hbm>>
    tpu.enqueue_indirect_dma source(%dma_start3A_15 : memref<30522x768xf32, #tpu.memory_space<hbm>>) target(%arg7 : memref<64x768xf32, #tpu.memory_space<vmem>>) offsets(%dma_start3A_12 : memref<64xi32, #tpu.memory_space<vmem>>) semaphore(%arg9 : memref<!tpu.dma_semaphore, #tpu.memory_space<semaphore_mem>>)
    %dma_wait3A = arith.constant 0 : i32
    %dma_wait3A_16 = tpu.memref_slice %arg5[%dma_wait3A] : memref<128xi32, #tpu.memory_space<vmem>> -> memref<64xi32, #tpu.memory_space<vmem>>
    %dma_wait3A_17 = arith.constant 0 : i32
    %dma_wait3A_18 = arith.constant 0 : i32
    %dma_wait3A_19 = tpu.memref_slice %arg2[%dma_wait3A_17, %dma_wait3A_18] : memref<30522x768xf32, #tpu.memory_space<hbm>> -> memref<30522x768xf32, #tpu.memory_space<hbm>>
    tpu.wait_indirect_dma semaphore(%arg8 : memref<!tpu.dma_semaphore, #tpu.memory_space<semaphore_mem>>) src(%dma_wait3A_19 : memref<30522x768xf32, #tpu.memory_space<hbm>>) dst(%arg6 : memref<64x768xf32, #tpu.memory_space<vmem>>)
    %add3A_20 = arith.constant 0 : i32
    %add3A_21 = arith.addi %mul3A_2, %add3A_20 : i32
    "tpu.region"() ({
      %run_scoped3A = tpu.sem_alloc : memref<!tpu.dma_semaphore, #tpu.memory_space<semaphore_mem>>
      %dma_start3A_29 = arith.constant 0 : i32
      %dma_start3A_30 = tpu.memref_slice %arg4[%add3A_21, %dma_start3A_29] : memref<4096x768xf32, #tpu.memory_space<hbm>> -> memref<64x768xf32, #tpu.memory_space<hbm>>
      %dma_start3A_31 = arith.constant 0 : i32
      %dma_start3A_32 = tpu.memref_slice %arg4[%add3A_21, %dma_start3A_31] : memref<4096x768xf32, #tpu.memory_space<hbm>> -> memref<64x768xf32, #tpu.memory_space<hbm>>
      tpu.enqueue_dma source(%arg6 : memref<64x768xf32, #tpu.memory_space<vmem>>) target(%dma_start3A_32 : memref<64x768xf32, #tpu.memory_space<hbm>>) target_semaphore(%run_scoped3A : memref<!tpu.dma_semaphore, #tpu.memory_space<semaphore_mem>>)
      %dma_wait3A_33 = arith.constant 0 : i32
      %dma_wait3A_34 = tpu.memref_slice %arg4[%add3A_21, %dma_wait3A_33] : memref<4096x768xf32, #tpu.memory_space<hbm>> -> memref<64x768xf32, #tpu.memory_space<hbm>>
      %dma_wait3A_35 = arith.constant 0 : i32
      %dma_wait3A_36 = tpu.memref_slice %arg4[%add3A_21, %dma_wait3A_35] : memref<4096x768xf32, #tpu.memory_space<hbm>> -> memref<64x768xf32, #tpu.memory_space<hbm>>
      tpu.wait_dma2 semaphore(%run_scoped3A : memref<!tpu.dma_semaphore, #tpu.memory_space<semaphore_mem>>) src(%arg6 : memref<64x768xf32, #tpu.memory_space<vmem>>) dst(%dma_wait3A_36 : memref<64x768xf32, #tpu.memory_space<hbm>>)
      tpu.yield
    }) : () -> ()
    %dma_wait3A_22 = arith.constant 64 : i32
    %dma_wait3A_23 = tpu.memref_slice %arg5[%dma_wait3A_22] : memref<128xi32, #tpu.memory_space<vmem>> -> memref<64xi32, #tpu.memory_space<vmem>>
    %dma_wait3A_24 = arith.constant 0 : i32
    %dma_wait3A_25 = arith.constant 0 : i32
    %dma_wait3A_26 = tpu.memref_slice %arg2[%dma_wait3A_24, %dma_wait3A_25] : memref<30522x768xf32, #tpu.memory_space<hbm>> -> memref<30522x768xf32, #tpu.memory_space<hbm>>
    tpu.wait_indirect_dma semaphore(%arg9 : memref<!tpu.dma_semaphore, #tpu.memory_space<semaphore_mem>>) src(%dma_wait3A_26 : memref<30522x768xf32, #tpu.memory_space<hbm>>) dst(%arg7 : memref<64x768xf32, #tpu.memory_space<vmem>>)
    %add3A_27 = arith.constant 64 : i32
    %add3A_28 = arith.addi %mul3A_2, %add3A_27 : i32
    "tpu.region"() ({
      %run_scoped3A = tpu.sem_alloc : memref<!tpu.dma_semaphore, #tpu.memory_space<semaphore_mem>>
      %dma_start3A_29 = arith.constant 0 : i32
      %dma_start3A_30 = tpu.memref_slice %arg4[%add3A_28, %dma_start3A_29] : memref<4096x768xf32, #tpu.memory_space<hbm>> -> memref<64x768xf32, #tpu.memory_space<hbm>>
      %dma_start3A_31 = arith.constant 0 : i32
      %dma_start3A_32 = tpu.memref_slice %arg4[%add3A_28, %dma_start3A_31] : memref<4096x768xf32, #tpu.memory_space<hbm>> -> memref<64x768xf32, #tpu.memory_space<hbm>>
      tpu.enqueue_dma source(%arg7 : memref<64x768xf32, #tpu.memory_space<vmem>>) target(%dma_start3A_32 : memref<64x768xf32, #tpu.memory_space<hbm>>) target_semaphore(%run_scoped3A : memref<!tpu.dma_semaphore, #tpu.memory_space<semaphore_mem>>)
      %dma_wait3A_33 = arith.constant 0 : i32
      %dma_wait3A_34 = tpu.memref_slice %arg4[%add3A_28, %dma_wait3A_33] : memref<4096x768xf32, #tpu.memory_space<hbm>> -> memref<64x768xf32, #tpu.memory_space<hbm>>
      %dma_wait3A_35 = arith.constant 0 : i32
      %dma_wait3A_36 = tpu.memref_slice %arg4[%add3A_28, %dma_wait3A_35] : memref<4096x768xf32, #tpu.memory_space<hbm>> -> memref<64x768xf32, #tpu.memory_space<hbm>>
      tpu.wait_dma2 semaphore(%run_scoped3A : memref<!tpu.dma_semaphore, #tpu.memory_space<semaphore_mem>>) src(%arg7 : memref<64x768xf32, #tpu.memory_space<vmem>>) dst(%dma_wait3A_36 : memref<64x768xf32, #tpu.memory_space<hbm>>)
      tpu.yield
    }) : () -> ()
    return
  }
}

#map = affine_map<(d0, d1) -> (0, 0)>
#map1 = affine_map<(d0, d1) -> (0)>
module attributes {stable_mosaic.version = 14 : i64} {
  func.func @k(%arg0: i32, %arg1: i32, %arg2: memref<30522x768xf32, #tpu.memory_space<hbm>>, %arg3: memref<16384xi32, #tpu.memory_space<hbm>>, %arg4: memref<6144x768xf32, #tpu.memory_space<hbm>>, %arg5: memref<192xi32, #tpu.memory_space<vmem>>, %arg6: memref<64x768xf32, #tpu.memory_space<vmem>>, %arg7: memref<64x768xf32, #tpu.memory_space<vmem>>, %arg8: memref<!tpu.dma_semaphore, #tpu.memory_space<semaphore_mem>>, %arg9: memref<!tpu.dma_semaphore, #tpu.memory_space<semaphore_mem>>) attributes {dimension_semantics = [#tpu.dimension_semantics<core_parallel>, #tpu.dimension_semantics<subcore_parallel>], iteration_bounds = array<i64: 2, 16>, scalar_prefetch = 0 : i64, scratch_operands = 5 : i64, tpu.core_type = #tpu.core_type<sc_vector_subcore>, window_params = [{transform_indices = #map}, {transform_indices = #map1}, {transform_indices = #map}]} {
    %mul3A = arith.constant 2 : i32
    %mul3A_0 = arith.muli %arg1, %mul3A : i32
    %add3A = arith.addi %mul3A_0, %arg0 : i32
    %mul3A_1 = arith.constant 192 : i32
    %mul3A_2 = arith.muli %add3A, %mul3A_1 : i32
    %mul3A_3 = arith.constant 192 : i32
    %mul3A_4 = arith.muli %add3A, %mul3A_3 : i32
    %add3A_5 = arith.constant 0 : i32
    %add3A_6 = arith.addi %add3A_5, %mul3A_4 : i32
    "tpu.region"() ({
      %run_scoped3A = tpu.sem_alloc : memref<!tpu.dma_semaphore, #tpu.memory_space<semaphore_mem>>
      %dma_start3A_41 = tpu.memref_slice %arg3[%add3A_6] : memref<16384xi32, #tpu.memory_space<hbm>> -> memref<192xi32, #tpu.memory_space<hbm>>
      %dma_start3A_42 = tpu.memref_slice %arg3[%add3A_6] : memref<16384xi32, #tpu.memory_space<hbm>> -> memref<192xi32, #tpu.memory_space<hbm>>
      tpu.enqueue_dma source(%dma_start3A_42 : memref<192xi32, #tpu.memory_space<hbm>>) target(%arg5 : memref<192xi32, #tpu.memory_space<vmem>>) target_semaphore(%run_scoped3A : memref<!tpu.dma_semaphore, #tpu.memory_space<semaphore_mem>>)
      %dma_wait3A_43 = tpu.memref_slice %arg3[%add3A_6] : memref<16384xi32, #tpu.memory_space<hbm>> -> memref<192xi32, #tpu.memory_space<hbm>>
      %dma_wait3A_44 = tpu.memref_slice %arg3[%add3A_6] : memref<16384xi32, #tpu.memory_space<hbm>> -> memref<192xi32, #tpu.memory_space<hbm>>
      tpu.wait_dma2 semaphore(%run_scoped3A : memref<!tpu.dma_semaphore, #tpu.memory_space<semaphore_mem>>) src(%dma_wait3A_44 : memref<192xi32, #tpu.memory_space<hbm>>) dst(%arg5 : memref<192xi32, #tpu.memory_space<vmem>>)
      tpu.yield
    }) : () -> ()
    %dma_start3A = arith.constant 0 : i32
    %dma_start3A_7 = tpu.memref_slice %arg5[%dma_start3A] : memref<192xi32, #tpu.memory_space<vmem>> -> memref<64xi32, #tpu.memory_space<vmem>>
    %dma_start3A_8 = arith.constant 0 : i32
    %dma_start3A_9 = arith.constant 0 : i32
    %dma_start3A_10 = tpu.memref_slice %arg2[%dma_start3A_8, %dma_start3A_9] : memref<30522x768xf32, #tpu.memory_space<hbm>> -> memref<30522x768xf32, #tpu.memory_space<hbm>>
    tpu.enqueue_indirect_dma source(%dma_start3A_10 : memref<30522x768xf32, #tpu.memory_space<hbm>>) target(%arg6 : memref<64x768xf32, #tpu.memory_space<vmem>>) offsets(%dma_start3A_7 : memref<64xi32, #tpu.memory_space<vmem>>) semaphore(%arg8 : memref<!tpu.dma_semaphore, #tpu.memory_space<semaphore_mem>>)
    %dma_start3A_11 = arith.constant 64 : i32
    %dma_start3A_12 = tpu.memref_slice %arg5[%dma_start3A_11] : memref<192xi32, #tpu.memory_space<vmem>> -> memref<64xi32, #tpu.memory_space<vmem>>
    %dma_start3A_13 = arith.constant 0 : i32
    %dma_start3A_14 = arith.constant 0 : i32
    %dma_start3A_15 = tpu.memref_slice %arg2[%dma_start3A_13, %dma_start3A_14] : memref<30522x768xf32, #tpu.memory_space<hbm>> -> memref<30522x768xf32, #tpu.memory_space<hbm>>
    tpu.enqueue_indirect_dma source(%dma_start3A_15 : memref<30522x768xf32, #tpu.memory_space<hbm>>) target(%arg7 : memref<64x768xf32, #tpu.memory_space<vmem>>) offsets(%dma_start3A_12 : memref<64xi32, #tpu.memory_space<vmem>>) semaphore(%arg9 : memref<!tpu.dma_semaphore, #tpu.memory_space<semaphore_mem>>)
    %dma_wait3A = arith.constant 0 : i32
    %dma_wait3A_16 = tpu.memref_slice %arg5[%dma_wait3A] : memref<192xi32, #tpu.memory_space<vmem>> -> memref<64xi32, #tpu.memory_space<vmem>>
    %dma_wait3A_17 = arith.constant 0 : i32
    %dma_wait3A_18 = arith.constant 0 : i32
    %dma_wait3A_19 = tpu.memref_slice %arg2[%dma_wait3A_17, %dma_wait3A_18] : memref<30522x768xf32, #tpu.memory_space<hbm>> -> memref<30522x768xf32, #tpu.memory_space<hbm>>
    tpu.wait_indirect_dma semaphore(%arg8 : memref<!tpu.dma_semaphore, #tpu.memory_space<semaphore_mem>>) src(%dma_wait3A_19 : memref<30522x768xf32, #tpu.memory_space<hbm>>) dst(%arg6 : memref<64x768xf32, #tpu.memory_space<vmem>>)
    %add3A_20 = arith.constant 0 : i32
    %add3A_21 = arith.addi %mul3A_2, %add3A_20 : i32
    "tpu.region"() ({
      %run_scoped3A = tpu.sem_alloc : memref<!tpu.dma_semaphore, #tpu.memory_space<semaphore_mem>>
      %dma_start3A_41 = arith.constant 0 : i32
      %dma_start3A_42 = tpu.memref_slice %arg4[%add3A_21, %dma_start3A_41] : memref<6144x768xf32, #tpu.memory_space<hbm>> -> memref<64x768xf32, #tpu.memory_space<hbm>>
      %dma_start3A_43 = arith.constant 0 : i32
      %dma_start3A_44 = tpu.memref_slice %arg4[%add3A_21, %dma_start3A_43] : memref<6144x768xf32, #tpu.memory_space<hbm>> -> memref<64x768xf32, #tpu.memory_space<hbm>>
      tpu.enqueue_dma source(%arg6 : memref<64x768xf32, #tpu.memory_space<vmem>>) target(%dma_start3A_44 : memref<64x768xf32, #tpu.memory_space<hbm>>) target_semaphore(%run_scoped3A : memref<!tpu.dma_semaphore, #tpu.memory_space<semaphore_mem>>)
      %dma_wait3A_45 = arith.constant 0 : i32
      %dma_wait3A_46 = tpu.memref_slice %arg4[%add3A_21, %dma_wait3A_45] : memref<6144x768xf32, #tpu.memory_space<hbm>> -> memref<64x768xf32, #tpu.memory_space<hbm>>
      %dma_wait3A_47 = arith.constant 0 : i32
      %dma_wait3A_48 = tpu.memref_slice %arg4[%add3A_21, %dma_wait3A_47] : memref<6144x768xf32, #tpu.memory_space<hbm>> -> memref<64x768xf32, #tpu.memory_space<hbm>>
      tpu.wait_dma2 semaphore(%run_scoped3A : memref<!tpu.dma_semaphore, #tpu.memory_space<semaphore_mem>>) src(%arg6 : memref<64x768xf32, #tpu.memory_space<vmem>>) dst(%dma_wait3A_48 : memref<64x768xf32, #tpu.memory_space<hbm>>)
      tpu.yield
    }) : () -> ()
    %dma_start3A_22 = arith.constant 128 : i32
    %dma_start3A_23 = tpu.memref_slice %arg5[%dma_start3A_22] : memref<192xi32, #tpu.memory_space<vmem>> -> memref<64xi32, #tpu.memory_space<vmem>>
    %dma_start3A_24 = arith.constant 0 : i32
    %dma_start3A_25 = arith.constant 0 : i32
    %dma_start3A_26 = tpu.memref_slice %arg2[%dma_start3A_24, %dma_start3A_25] : memref<30522x768xf32, #tpu.memory_space<hbm>> -> memref<30522x768xf32, #tpu.memory_space<hbm>>
    tpu.enqueue_indirect_dma source(%dma_start3A_26 : memref<30522x768xf32, #tpu.memory_space<hbm>>) target(%arg6 : memref<64x768xf32, #tpu.memory_space<vmem>>) offsets(%dma_start3A_23 : memref<64xi32, #tpu.memory_space<vmem>>) semaphore(%arg8 : memref<!tpu.dma_semaphore, #tpu.memory_space<semaphore_mem>>)
    %dma_wait3A_27 = arith.constant 64 : i32
    %dma_wait3A_28 = tpu.memref_slice %arg5[%dma_wait3A_27] : memref<192xi32, #tpu.memory_space<vmem>> -> memref<64xi32, #tpu.memory_space<vmem>>
    %dma_wait3A_29 = arith.constant 0 : i32
    %dma_wait3A_30 = arith.constant 0 : i32
    %dma_wait3A_31 = tpu.memref_slice %arg2[%dma_wait3A_29, %dma_wait3A_30] : memref<30522x768xf32, #tpu.memory_space<hbm>> -> memref<30522x768xf32, #tpu.memory_space<hbm>>
    tpu.wait_indirect_dma semaphore(%arg9 : memref<!tpu.dma_semaphore, #tpu.memory_space<semaphore_mem>>) src(%dma_wait3A_31 : memref<30522x768xf32, #tpu.memory_space<hbm>>) dst(%arg7 : memref<64x768xf32, #tpu.memory_space<vmem>>)
    %add3A_32 = arith.constant 64 : i32
    %add3A_33 = arith.addi %mul3A_2, %add3A_32 : i32
    "tpu.region"() ({
      %run_scoped3A = tpu.sem_alloc : memref<!tpu.dma_semaphore, #tpu.memory_space<semaphore_mem>>
      %dma_start3A_41 = arith.constant 0 : i32
      %dma_start3A_42 = tpu.memref_slice %arg4[%add3A_33, %dma_start3A_41] : memref<6144x768xf32, #tpu.memory_space<hbm>> -> memref<64x768xf32, #tpu.memory_space<hbm>>
      %dma_start3A_43 = arith.constant 0 : i32
      %dma_start3A_44 = tpu.memref_slice %arg4[%add3A_33, %dma_start3A_43] : memref<6144x768xf32, #tpu.memory_space<hbm>> -> memref<64x768xf32, #tpu.memory_space<hbm>>
      tpu.enqueue_dma source(%arg7 : memref<64x768xf32, #tpu.memory_space<vmem>>) target(%dma_start3A_44 : memref<64x768xf32, #tpu.memory_space<hbm>>) target_semaphore(%run_scoped3A : memref<!tpu.dma_semaphore, #tpu.memory_space<semaphore_mem>>)
      %dma_wait3A_45 = arith.constant 0 : i32
      %dma_wait3A_46 = tpu.memref_slice %arg4[%add3A_33, %dma_wait3A_45] : memref<6144x768xf32, #tpu.memory_space<hbm>> -> memref<64x768xf32, #tpu.memory_space<hbm>>
      %dma_wait3A_47 = arith.constant 0 : i32
      %dma_wait3A_48 = tpu.memref_slice %arg4[%add3A_33, %dma_wait3A_47] : memref<6144x768xf32, #tpu.memory_space<hbm>> -> memref<64x768xf32, #tpu.memory_space<hbm>>
      tpu.wait_dma2 semaphore(%run_scoped3A : memref<!tpu.dma_semaphore, #tpu.memory_space<semaphore_mem>>) src(%arg7 : memref<64x768xf32, #tpu.memory_space<vmem>>) dst(%dma_wait3A_48 : memref<64x768xf32, #tpu.memory_space<hbm>>)
      tpu.yield
    }) : () -> ()
    %dma_wait3A_34 = arith.constant 128 : i32
    %dma_wait3A_35 = tpu.memref_slice %arg5[%dma_wait3A_34] : memref<192xi32, #tpu.memory_space<vmem>> -> memref<64xi32, #tpu.memory_space<vmem>>
    %dma_wait3A_36 = arith.constant 0 : i32
    %dma_wait3A_37 = arith.constant 0 : i32
    %dma_wait3A_38 = tpu.memref_slice %arg2[%dma_wait3A_36, %dma_wait3A_37] : memref<30522x768xf32, #tpu.memory_space<hbm>> -> memref<30522x768xf32, #tpu.memory_space<hbm>>
    tpu.wait_indirect_dma semaphore(%arg8 : memref<!tpu.dma_semaphore, #tpu.memory_space<semaphore_mem>>) src(%dma_wait3A_38 : memref<30522x768xf32, #tpu.memory_space<hbm>>) dst(%arg6 : memref<64x768xf32, #tpu.memory_space<vmem>>)
    %add3A_39 = arith.constant 128 : i32
    %add3A_40 = arith.addi %mul3A_2, %add3A_39 : i32
    "tpu.region"() ({
      %run_scoped3A = tpu.sem_alloc : memref<!tpu.dma_semaphore, #tpu.memory_space<semaphore_mem>>
      %dma_start3A_41 = arith.constant 0 : i32
      %dma_start3A_42 = tpu.memref_slice %arg4[%add3A_40, %dma_start3A_41] : memref<6144x768xf32, #tpu.memory_space<hbm>> -> memref<64x768xf32, #tpu.memory_space<hbm>>
      %dma_start3A_43 = arith.constant 0 : i32
      %dma_start3A_44 = tpu.memref_slice %arg4[%add3A_40, %dma_start3A_43] : memref<6144x768xf32, #tpu.memory_space<hbm>> -> memref<64x768xf32, #tpu.memory_space<hbm>>
      tpu.enqueue_dma source(%arg6 : memref<64x768xf32, #tpu.memory_space<vmem>>) target(%dma_start3A_44 : memref<64x768xf32, #tpu.memory_space<hbm>>) target_semaphore(%run_scoped3A : memref<!tpu.dma_semaphore, #tpu.memory_space<semaphore_mem>>)
      %dma_wait3A_45 = arith.constant 0 : i32
      %dma_wait3A_46 = tpu.memref_slice %arg4[%add3A_40, %dma_wait3A_45] : memref<6144x768xf32, #tpu.memory_space<hbm>> -> memref<64x768xf32, #tpu.memory_space<hbm>>
      %dma_wait3A_47 = arith.constant 0 : i32
      %dma_wait3A_48 = tpu.memref_slice %arg4[%add3A_40, %dma_wait3A_47] : memref<6144x768xf32, #tpu.memory_space<hbm>> -> memref<64x768xf32, #tpu.memory_space<hbm>>
      tpu.wait_dma2 semaphore(%run_scoped3A : memref<!tpu.dma_semaphore, #tpu.memory_space<semaphore_mem>>) src(%arg6 : memref<64x768xf32, #tpu.memory_space<vmem>>) dst(%dma_wait3A_48 : memref<64x768xf32, #tpu.memory_space<hbm>>)
      tpu.yield
    }) : () -> ()
    return
  }
}

module attributes {stable_mosaic.version = 14 : i64} {
  func.func @body(%arg0: i32, %arg1: memref<32x512x768xf32, #tpu.memory_space<any>>, %arg2: memref<512x768xf32, #tpu.memory_space<vmem>>, %arg3: memref<512x768xf32, #tpu.memory_space<vmem>>, %arg4: memref<1x768xf32, #tpu.memory_space<vmem>>, %arg5: memref<1x768xf32, #tpu.memory_space<vmem>>, %arg6: memref<1x512x768xf32, #tpu.memory_space<vmem>>) attributes {dimension_semantics = [#tpu.dimension_semantics<arbitrary>], iteration_bounds = array<i64: 8>, scalar_prefetch = 0 : i64, scratch_operands = 0 : i64, tpu.core_type = #tpu.core_type<tc>, window_params = [{}, {transform_indices = @transform_1, window_bounds = array<i64: 512, 768>}, {transform_indices = @transform_2, window_bounds = array<i64: 512, 768>}, {pipeline_mode = #tpu.pipeline_mode<synchronous>, transform_indices = @transform_3, window_bounds = array<i64: 1, 768>}, {pipeline_mode = #tpu.pipeline_mode<synchronous>, transform_indices = @transform_4, window_bounds = array<i64: 1, 768>}, {transform_indices = @transform_5, window_bounds = array<i64: 1, 512, 768>}]} {
    %get3A = arith.constant 0 : index
    %get3A_0 = arith.constant 0 : index
    %get3A_1 = vector.load %arg2[%get3A, %get3A_0] : memref<512x768xf32, #tpu.memory_space<vmem>>, vector<512x768xf32>
    %get3A_2 = arith.constant 0 : index
    %get3A_3 = arith.constant 0 : index
    %get3A_4 = vector.load %arg3[%get3A_2, %get3A_3] : memref<512x768xf32, #tpu.memory_space<vmem>>, vector<512x768xf32>
    %add3A = arith.addf %get3A_1, %get3A_4 : vector<512x768xf32>
    %reduce_sum3A = arith.constant dense<0.000000e+00> : vector<512xf32>
    %reduce_sum3A_5 = vector.multi_reduction <add>, %add3A, %reduce_sum3A [1] : vector<512x768xf32> to vector<512xf32>
    %broadcast_in_dim3A = vector.shape_cast %reduce_sum3A_5 : vector<512xf32> to vector<512x1xf32>
    %div3A = arith.constant 7.680000e+02 : f32
    %div3A_6 = vector.broadcast %div3A : f32 to vector<512x1xf32>
    %div3A_7 = arith.divf %broadcast_in_dim3A, %div3A_6 : vector<512x1xf32>
    %mul3A = arith.mulf %add3A, %add3A : vector<512x768xf32>
    %reduce_sum3A_8 = arith.constant dense<0.000000e+00> : vector<512xf32>
    %reduce_sum3A_9 = vector.multi_reduction <add>, %mul3A, %reduce_sum3A_8 [1] : vector<512x768xf32> to vector<512xf32>
    %broadcast_in_dim3A_10 = vector.shape_cast %reduce_sum3A_9 : vector<512xf32> to vector<512x1xf32>
    %div3A_11 = arith.constant 7.680000e+02 : f32
    %div3A_12 = vector.broadcast %div3A_11 : f32 to vector<512x1xf32>
    %div3A_13 = arith.divf %broadcast_in_dim3A_10, %div3A_12 : vector<512x1xf32>
    %mul3A_14 = arith.mulf %div3A_7, %div3A_7 : vector<512x1xf32>
    %sub3A = arith.subf %div3A_13, %mul3A_14 : vector<512x1xf32>
    %add3A_15 = arith.constant 9.99999996E-13 : f32
    %add3A_16 = vector.broadcast %add3A_15 : f32 to vector<512x1xf32>
    %add3A_17 = arith.addf %sub3A, %add3A_16 : vector<512x1xf32>
    %rsqrt3A = math.rsqrt %add3A_17 : vector<512x1xf32>
    %get3A_18 = arith.constant 0 : index
    %get3A_19 = arith.constant 0 : index
    %get3A_20 = vector.load %arg4[%get3A_18, %get3A_19] : memref<1x768xf32, #tpu.memory_space<vmem>>, vector<1x768xf32>
    %mul3A_21 = vector.broadcast %rsqrt3A : vector<512x1xf32> to vector<512x768xf32>
    %mul3A_22 = vector.broadcast %get3A_20 : vector<1x768xf32> to vector<512x768xf32>
    %mul3A_23 = arith.mulf %mul3A_21, %mul3A_22 : vector<512x768xf32>
    %get3A_24 = arith.constant 0 : index
    %get3A_25 = arith.constant 0 : index
    %get3A_26 = vector.load %arg5[%get3A_24, %get3A_25] : memref<1x768xf32, #tpu.memory_space<vmem>>, vector<1x768xf32>
    %mul3A_27 = vector.broadcast %div3A_7 : vector<512x1xf32> to vector<512x768xf32>
    %mul3A_28 = arith.mulf %mul3A_27, %mul3A_23 : vector<512x768xf32>
    %sub3A_29 = vector.broadcast %get3A_26 : vector<1x768xf32> to vector<512x768xf32>
    %sub3A_30 = arith.subf %sub3A_29, %mul3A_28 : vector<512x768xf32>
    %mul3A_31 = arith.mulf %add3A, %mul3A_23 : vector<512x768xf32>
    %add3A_32 = arith.addf %mul3A_31, %sub3A_30 : vector<512x768xf32>
    %broadcast_in_dim3A_33 = vector.shape_cast %add3A_32 : vector<512x768xf32> to vector<1x512x768xf32>
    %swap3A = arith.constant 0 : index
    %swap3A_34 = arith.constant 0 : index
    %swap3A_35 = arith.constant 0 : index
    %swap3A_36 = vector.load %arg6[%swap3A, %swap3A_34, %swap3A_35] : memref<1x512x768xf32, #tpu.memory_space<vmem>>, vector<1x512x768xf32>
    tpu.vector_store %arg6[%swap3A, %swap3A_34, %swap3A_35], %broadcast_in_dim3A_33 {strides = array<i32>} : memref<1x512x768xf32, #tpu.memory_space<vmem>>, vector<1x512x768xf32>,
    return
  }
  func.func @transform_1(%arg0: i32) -> (i32, i32) {
    %c0_i32 = arith.constant 0 : i32
    %c0_i32_0 = arith.constant 0 : i32
    return %arg0, %c0_i32 : i32, i32
  }
  func.func @transform_2(%arg0: i32) -> (i32, i32) {
    %jit3A = arith.constant 1 : i32
    %eq3A = arith.constant 0 : i32
    %eq3A_0 = arith.cmpi eq, %jit3A, %eq3A : i32
    %jit3A_1 = arith.constant 1 : i32
    %select_n3A = arith.select %eq3A_0, %jit3A_1, %jit3A : i32
    %rem3A = arith.remsi %arg0, %select_n3A : i32
    %ne3A = arith.constant 0 : i32
    %ne3A_2 = arith.cmpi ne, %rem3A, %ne3A : i32
    %lt3A = arith.constant 0 : i32
    %lt3A_3 = arith.cmpi slt, %rem3A, %lt3A : i32
    %lt3A_4 = arith.constant 0 : i32
    %lt3A_5 = arith.cmpi slt, %select_n3A, %lt3A_4 : i32
    %ne3A_6 = arith.xori %lt3A_3, %lt3A_5 : i1
    %and3A = arith.andi %ne3A_6, %ne3A_2 : i1
    %add3A = arith.addi %rem3A, %select_n3A : i32
    %select_n3A_7 = arith.select %and3A, %add3A, %rem3A : i32
    %c0_i32 = arith.constant 0 : i32
    %c0_i32_8 = arith.constant 0 : i32
    return %select_n3A_7, %c0_i32 : i32, i32
  }
  func.func @transform_3(%arg0: i32) -> (i32, i32) {
    %c0_i32 = arith.constant 0 : i32
    %c0_i32_0 = arith.constant 0 : i32
    %c0_i32_1 = arith.constant 0 : i32
    return %c0_i32, %c0_i32_0 : i32, i32
  }
  func.func @transform_4(%arg0: i32) -> (i32, i32) {
    %c0_i32 = arith.constant 0 : i32
    %c0_i32_0 = arith.constant 0 : i32
    %c0_i32_1 = arith.constant 0 : i32
    return %c0_i32, %c0_i32_0 : i32, i32
  }
  func.func @transform_5(%arg0: i32) -> (i32, i32, i32) {
    %jit3A = arith.constant 1 : i32
    %div3A = arith.divsi %arg0, %jit3A : i32
    %sign3A = arith.constant 0 : i32
    %sign3A_0 = arith.cmpi sgt, %arg0, %sign3A : i32
    %sign3A_1 = arith.extui %sign3A_0 : i1 to i32
    %sign3A_2 = arith.constant 0 : i32
    %sign3A_3 = arith.cmpi slt, %arg0, %sign3A_2 : i32
    %sign3A_4 = arith.extui %sign3A_3 : i1 to i32
    %sign3A_5 = arith.subi %sign3A_1, %sign3A_4 : i32
    %sign3A_6 = arith.constant 0 : i32
    %sign3A_7 = arith.cmpi sgt, %jit3A, %sign3A_6 : i32
    %sign3A_8 = arith.extui %sign3A_7 : i1 to i32
    %sign3A_9 = arith.constant 0 : i32
    %sign3A_10 = arith.cmpi slt, %jit3A, %sign3A_9 : i32
    %sign3A_11 = arith.extui %sign3A_10 : i1 to i32
    %sign3A_12 = arith.subi %sign3A_8, %sign3A_11 : i32
    %ne3A = arith.cmpi ne, %sign3A_5, %sign3A_12 : i32
    %rem3A = arith.remsi %arg0, %jit3A : i32
    %ne3A_13 = arith.constant 0 : i32
    %ne3A_14 = arith.cmpi ne, %rem3A, %ne3A_13 : i32
    %and3A = arith.andi %ne3A, %ne3A_14 : i1
    %sub3A = arith.constant 1 : i32
    %sub3A_15 = arith.subi %div3A, %sub3A : i32
    %select_n3A = arith.select %and3A, %sub3A_15, %div3A : i32
    %add3A = arith.constant 12 : i32
    %add3A_16 = arith.addi %add3A, %select_n3A : i32
    %jit3A_17 = arith.constant 1 : i32
    %eq3A = arith.constant 0 : i32
    %eq3A_18 = arith.cmpi eq, %jit3A_17, %eq3A : i32
    %jit3A_19 = arith.constant 1 : i32
    %select_n3A_20 = arith.select %eq3A_18, %jit3A_19, %jit3A_17 : i32
    %rem3A_21 = arith.remsi %arg0, %select_n3A_20 : i32
    %ne3A_22 = arith.constant 0 : i32
    %ne3A_23 = arith.cmpi ne, %rem3A_21, %ne3A_22 : i32
    %lt3A = arith.constant 0 : i32
    %lt3A_24 = arith.cmpi slt, %rem3A_21, %lt3A : i32
    %lt3A_25 = arith.constant 0 : i32
    %lt3A_26 = arith.cmpi slt, %select_n3A_20, %lt3A_25 : i32
    %ne3A_27 = arith.xori %lt3A_24, %lt3A_26 : i1
    %and3A_28 = arith.andi %ne3A_27, %ne3A_23 : i1
    %add3A_29 = arith.addi %rem3A_21, %select_n3A_20 : i32
    %select_n3A_30 = arith.select %and3A_28, %add3A_29, %rem3A_21 : i32
    %c0_i32 = arith.constant 0 : i32
    %c0_i32_31 = arith.constant 0 : i32
    return %add3A_16, %select_n3A_30, %c0_i32 : i32, i32, i32
  }
}

module attributes {stable_mosaic.version = 14 : i64} {
  func.func @_ln_body(%arg0: i32, %arg1: memref<512x768xf32, #tpu.memory_space<vmem>>, %arg2: memref<512x768xf32, #tpu.memory_space<vmem>>, %arg3: memref<1x768xf32, #tpu.memory_space<vmem>>, %arg4: memref<1x768xf32, #tpu.memory_space<vmem>>, %arg5: memref<1x512x768xf32, #tpu.memory_space<vmem>>) attributes {dimension_semantics = [#tpu.dimension_semantics<arbitrary>], iteration_bounds = array<i64: 12>, scalar_prefetch = 0 : i64, scratch_operands = 0 : i64, tpu.core_type = #tpu.core_type<tc>, window_params = [{transform_indices = @transform_0, window_bounds = array<i64: 512, 768>}, {transform_indices = @transform_1, window_bounds = array<i64: 512, 768>}, {pipeline_mode = #tpu.pipeline_mode<synchronous>, transform_indices = @transform_2, window_bounds = array<i64: 1, 768>}, {pipeline_mode = #tpu.pipeline_mode<synchronous>, transform_indices = @transform_3, window_bounds = array<i64: 1, 768>}, {transform_indices = @transform_4, window_bounds = array<i64: 1, 512, 768>}]} {
    %get3A = arith.constant 0 : index
    %get3A_0 = arith.constant 0 : index
    %get3A_1 = vector.load %arg1[%get3A, %get3A_0] : memref<512x768xf32, #tpu.memory_space<vmem>>, vector<512x768xf32>
    %get3A_2 = arith.constant 0 : index
    %get3A_3 = arith.constant 0 : index
    %get3A_4 = vector.load %arg2[%get3A_2, %get3A_3] : memref<512x768xf32, #tpu.memory_space<vmem>>, vector<512x768xf32>
    %add3A = arith.addf %get3A_1, %get3A_4 : vector<512x768xf32>
    %reduce_sum3A = arith.constant dense<0.000000e+00> : vector<512xf32>
    %reduce_sum3A_5 = vector.multi_reduction <add>, %add3A, %reduce_sum3A [1] : vector<512x768xf32> to vector<512xf32>
    %broadcast_in_dim3A = vector.shape_cast %reduce_sum3A_5 : vector<512xf32> to vector<512x1xf32>
    %div3A = arith.constant 7.680000e+02 : f32
    %div3A_6 = vector.broadcast %div3A : f32 to vector<512x1xf32>
    %div3A_7 = arith.divf %broadcast_in_dim3A, %div3A_6 : vector<512x1xf32>
    %mul3A = arith.mulf %add3A, %add3A : vector<512x768xf32>
    %reduce_sum3A_8 = arith.constant dense<0.000000e+00> : vector<512xf32>
    %reduce_sum3A_9 = vector.multi_reduction <add>, %mul3A, %reduce_sum3A_8 [1] : vector<512x768xf32> to vector<512xf32>
    %broadcast_in_dim3A_10 = vector.shape_cast %reduce_sum3A_9 : vector<512xf32> to vector<512x1xf32>
    %div3A_11 = arith.constant 7.680000e+02 : f32
    %div3A_12 = vector.broadcast %div3A_11 : f32 to vector<512x1xf32>
    %div3A_13 = arith.divf %broadcast_in_dim3A_10, %div3A_12 : vector<512x1xf32>
    %mul3A_14 = arith.mulf %div3A_7, %div3A_7 : vector<512x1xf32>
    %sub3A = arith.subf %div3A_13, %mul3A_14 : vector<512x1xf32>
    %add3A_15 = arith.constant 9.99999996E-13 : f32
    %add3A_16 = vector.broadcast %add3A_15 : f32 to vector<512x1xf32>
    %add3A_17 = arith.addf %sub3A, %add3A_16 : vector<512x1xf32>
    %rsqrt3A = math.rsqrt %add3A_17 : vector<512x1xf32>
    %get3A_18 = arith.constant 0 : index
    %get3A_19 = arith.constant 0 : index
    %get3A_20 = vector.load %arg3[%get3A_18, %get3A_19] : memref<1x768xf32, #tpu.memory_space<vmem>>, vector<1x768xf32>
    %mul3A_21 = vector.broadcast %rsqrt3A : vector<512x1xf32> to vector<512x768xf32>
    %mul3A_22 = vector.broadcast %get3A_20 : vector<1x768xf32> to vector<512x768xf32>
    %mul3A_23 = arith.mulf %mul3A_21, %mul3A_22 : vector<512x768xf32>
    %get3A_24 = arith.constant 0 : index
    %get3A_25 = arith.constant 0 : index
    %get3A_26 = vector.load %arg4[%get3A_24, %get3A_25] : memref<1x768xf32, #tpu.memory_space<vmem>>, vector<1x768xf32>
    %mul3A_27 = vector.broadcast %div3A_7 : vector<512x1xf32> to vector<512x768xf32>
    %mul3A_28 = arith.mulf %mul3A_27, %mul3A_23 : vector<512x768xf32>
    %sub3A_29 = vector.broadcast %get3A_26 : vector<1x768xf32> to vector<512x768xf32>
    %sub3A_30 = arith.subf %sub3A_29, %mul3A_28 : vector<512x768xf32>
    %mul3A_31 = arith.mulf %add3A, %mul3A_23 : vector<512x768xf32>
    %add3A_32 = arith.addf %mul3A_31, %sub3A_30 : vector<512x768xf32>
    %broadcast_in_dim3A_33 = vector.shape_cast %add3A_32 : vector<512x768xf32> to vector<1x512x768xf32>
    %swap3A = arith.constant 0 : index
    %swap3A_34 = arith.constant 0 : index
    %swap3A_35 = arith.constant 0 : index
    %swap3A_36 = vector.load %arg5[%swap3A, %swap3A_34, %swap3A_35] : memref<1x512x768xf32, #tpu.memory_space<vmem>>, vector<1x512x768xf32>
    tpu.vector_store %arg5[%swap3A, %swap3A_34, %swap3A_35], %broadcast_in_dim3A_33 {strides = array<i32>} : memref<1x512x768xf32, #tpu.memory_space<vmem>>, vector<1x512x768xf32>,
    return
  }
  func.func @transform_0(%arg0: i32) -> (i32, i32) {
    %c0_i32 = arith.constant 0 : i32
    %c0_i32_0 = arith.constant 0 : i32
    return %arg0, %c0_i32 : i32, i32
  }
  func.func @transform_1(%arg0: i32) -> (i32, i32) {
    %jit3A = arith.constant 1 : i32
    %eq3A = arith.constant 0 : i32
    %eq3A_0 = arith.cmpi eq, %jit3A, %eq3A : i32
    %jit3A_1 = arith.constant 1 : i32
    %select_n3A = arith.select %eq3A_0, %jit3A_1, %jit3A : i32
    %rem3A = arith.remsi %arg0, %select_n3A : i32
    %ne3A = arith.constant 0 : i32
    %ne3A_2 = arith.cmpi ne, %rem3A, %ne3A : i32
    %lt3A = arith.constant 0 : i32
    %lt3A_3 = arith.cmpi slt, %rem3A, %lt3A : i32
    %lt3A_4 = arith.constant 0 : i32
    %lt3A_5 = arith.cmpi slt, %select_n3A, %lt3A_4 : i32
    %ne3A_6 = arith.xori %lt3A_3, %lt3A_5 : i1
    %and3A = arith.andi %ne3A_6, %ne3A_2 : i1
    %add3A = arith.addi %rem3A, %select_n3A : i32
    %select_n3A_7 = arith.select %and3A, %add3A, %rem3A : i32
    %c0_i32 = arith.constant 0 : i32
    %c0_i32_8 = arith.constant 0 : i32
    return %select_n3A_7, %c0_i32 : i32, i32
  }
  func.func @transform_2(%arg0: i32) -> (i32, i32) {
    %c0_i32 = arith.constant 0 : i32
    %c0_i32_0 = arith.constant 0 : i32
    %c0_i32_1 = arith.constant 0 : i32
    return %c0_i32, %c0_i32_0 : i32, i32
  }
  func.func @transform_3(%arg0: i32) -> (i32, i32) {
    %c0_i32 = arith.constant 0 : i32
    %c0_i32_0 = arith.constant 0 : i32
    %c0_i32_1 = arith.constant 0 : i32
    return %c0_i32, %c0_i32_0 : i32, i32
  }
  func.func @transform_4(%arg0: i32) -> (i32, i32, i32) {
    %jit3A = arith.constant 1 : i32
    %div3A = arith.divsi %arg0, %jit3A : i32
    %sign3A = arith.constant 0 : i32
    %sign3A_0 = arith.cmpi sgt, %arg0, %sign3A : i32
    %sign3A_1 = arith.extui %sign3A_0 : i1 to i32
    %sign3A_2 = arith.constant 0 : i32
    %sign3A_3 = arith.cmpi slt, %arg0, %sign3A_2 : i32
    %sign3A_4 = arith.extui %sign3A_3 : i1 to i32
    %sign3A_5 = arith.subi %sign3A_1, %sign3A_4 : i32
    %sign3A_6 = arith.constant 0 : i32
    %sign3A_7 = arith.cmpi sgt, %jit3A, %sign3A_6 : i32
    %sign3A_8 = arith.extui %sign3A_7 : i1 to i32
    %sign3A_9 = arith.constant 0 : i32
    %sign3A_10 = arith.cmpi slt, %jit3A, %sign3A_9 : i32
    %sign3A_11 = arith.extui %sign3A_10 : i1 to i32
    %sign3A_12 = arith.subi %sign3A_8, %sign3A_11 : i32
    %ne3A = arith.cmpi ne, %sign3A_5, %sign3A_12 : i32
    %rem3A = arith.remsi %arg0, %jit3A : i32
    %ne3A_13 = arith.constant 0 : i32
    %ne3A_14 = arith.cmpi ne, %rem3A, %ne3A_13 : i32
    %and3A = arith.andi %ne3A, %ne3A_14 : i1
    %sub3A = arith.constant 1 : i32
    %sub3A_15 = arith.subi %div3A, %sub3A : i32
    %select_n3A = arith.select %and3A, %sub3A_15, %div3A : i32
    %add3A = arith.constant 0 : i32
    %add3A_16 = arith.addi %add3A, %select_n3A : i32
    %jit3A_17 = arith.constant 1 : i32
    %eq3A = arith.constant 0 : i32
    %eq3A_18 = arith.cmpi eq, %jit3A_17, %eq3A : i32
    %jit3A_19 = arith.constant 1 : i32
    %select_n3A_20 = arith.select %eq3A_18, %jit3A_19, %jit3A_17 : i32
    %rem3A_21 = arith.remsi %arg0, %select_n3A_20 : i32
    %ne3A_22 = arith.constant 0 : i32
    %ne3A_23 = arith.cmpi ne, %rem3A_21, %ne3A_22 : i32
    %lt3A = arith.constant 0 : i32
    %lt3A_24 = arith.cmpi slt, %rem3A_21, %lt3A : i32
    %lt3A_25 = arith.constant 0 : i32
    %lt3A_26 = arith.cmpi slt, %select_n3A_20, %lt3A_25 : i32
    %ne3A_27 = arith.xori %lt3A_24, %lt3A_26 : i1
    %and3A_28 = arith.andi %ne3A_27, %ne3A_23 : i1
    %add3A_29 = arith.addi %rem3A_21, %select_n3A_20 : i32
    %select_n3A_30 = arith.select %and3A_28, %add3A_29, %rem3A_21 : i32
    %c0_i32 = arith.constant 0 : i32
    %c0_i32_31 = arith.constant 0 : i32
    return %add3A_16, %select_n3A_30, %c0_i32 : i32, i32, i32
  }
}

module attributes {stable_mosaic.version = 14 : i64} {
  func.func @body(%arg0: i32, %arg1: memref<32x512x768xf32, #tpu.memory_space<any>>, %arg2: memref<512x768xf32, #tpu.memory_space<vmem>>, %arg3: memref<512x768xf32, #tpu.memory_space<vmem>>, %arg4: memref<1x768xf32, #tpu.memory_space<vmem>>, %arg5: memref<1x768xf32, #tpu.memory_space<vmem>>, %arg6: memref<1x512x768xf32, #tpu.memory_space<vmem>>) attributes {dimension_semantics = [#tpu.dimension_semantics<arbitrary>], iteration_bounds = array<i64: 8>, scalar_prefetch = 0 : i64, scratch_operands = 0 : i64, tpu.core_type = #tpu.core_type<tc>, window_params = [{}, {transform_indices = @transform_1, window_bounds = array<i64: 512, 768>}, {transform_indices = @transform_2, window_bounds = array<i64: 512, 768>}, {pipeline_mode = #tpu.pipeline_mode<synchronous>, transform_indices = @transform_3, window_bounds = array<i64: 1, 768>}, {pipeline_mode = #tpu.pipeline_mode<synchronous>, transform_indices = @transform_4, window_bounds = array<i64: 1, 768>}, {transform_indices = @transform_5, window_bounds = array<i64: 1, 512, 768>}]} {
    %get3A = arith.constant 0 : index
    %get3A_0 = arith.constant 0 : index
    %get3A_1 = vector.load %arg2[%get3A, %get3A_0] : memref<512x768xf32, #tpu.memory_space<vmem>>, vector<512x768xf32>
    %get3A_2 = arith.constant 0 : index
    %get3A_3 = arith.constant 0 : index
    %get3A_4 = vector.load %arg3[%get3A_2, %get3A_3] : memref<512x768xf32, #tpu.memory_space<vmem>>, vector<512x768xf32>
    %add3A = arith.addf %get3A_1, %get3A_4 : vector<512x768xf32>
    %reduce_sum3A = arith.constant dense<0.000000e+00> : vector<512xf32>
    %reduce_sum3A_5 = vector.multi_reduction <add>, %add3A, %reduce_sum3A [1] : vector<512x768xf32> to vector<512xf32>
    %broadcast_in_dim3A = vector.shape_cast %reduce_sum3A_5 : vector<512xf32> to vector<512x1xf32>
    %div3A = arith.constant 7.680000e+02 : f32
    %div3A_6 = vector.broadcast %div3A : f32 to vector<512x1xf32>
    %div3A_7 = arith.divf %broadcast_in_dim3A, %div3A_6 : vector<512x1xf32>
    %mul3A = arith.mulf %add3A, %add3A : vector<512x768xf32>
    %reduce_sum3A_8 = arith.constant dense<0.000000e+00> : vector<512xf32>
    %reduce_sum3A_9 = vector.multi_reduction <add>, %mul3A, %reduce_sum3A_8 [1] : vector<512x768xf32> to vector<512xf32>
    %broadcast_in_dim3A_10 = vector.shape_cast %reduce_sum3A_9 : vector<512xf32> to vector<512x1xf32>
    %div3A_11 = arith.constant 7.680000e+02 : f32
    %div3A_12 = vector.broadcast %div3A_11 : f32 to vector<512x1xf32>
    %div3A_13 = arith.divf %broadcast_in_dim3A_10, %div3A_12 : vector<512x1xf32>
    %mul3A_14 = arith.mulf %div3A_7, %div3A_7 : vector<512x1xf32>
    %sub3A = arith.subf %div3A_13, %mul3A_14 : vector<512x1xf32>
    %add3A_15 = arith.constant 9.99999996E-13 : f32
    %add3A_16 = vector.broadcast %add3A_15 : f32 to vector<512x1xf32>
    %add3A_17 = arith.addf %sub3A, %add3A_16 : vector<512x1xf32>
    %rsqrt3A = math.rsqrt %add3A_17 : vector<512x1xf32>
    %get3A_18 = arith.constant 0 : index
    %get3A_19 = arith.constant 0 : index
    %get3A_20 = vector.load %arg4[%get3A_18, %get3A_19] : memref<1x768xf32, #tpu.memory_space<vmem>>, vector<1x768xf32>
    %mul3A_21 = vector.broadcast %rsqrt3A : vector<512x1xf32> to vector<512x768xf32>
    %mul3A_22 = vector.broadcast %get3A_20 : vector<1x768xf32> to vector<512x768xf32>
    %mul3A_23 = arith.mulf %mul3A_21, %mul3A_22 : vector<512x768xf32>
    %get3A_24 = arith.constant 0 : index
    %get3A_25 = arith.constant 0 : index
    %get3A_26 = vector.load %arg5[%get3A_24, %get3A_25] : memref<1x768xf32, #tpu.memory_space<vmem>>, vector<1x768xf32>
    %mul3A_27 = vector.broadcast %div3A_7 : vector<512x1xf32> to vector<512x768xf32>
    %mul3A_28 = arith.mulf %mul3A_27, %mul3A_23 : vector<512x768xf32>
    %sub3A_29 = vector.broadcast %get3A_26 : vector<1x768xf32> to vector<512x768xf32>
    %sub3A_30 = arith.subf %sub3A_29, %mul3A_28 : vector<512x768xf32>
    %mul3A_31 = arith.mulf %add3A, %mul3A_23 : vector<512x768xf32>
    %add3A_32 = arith.addf %mul3A_31, %sub3A_30 : vector<512x768xf32>
    %broadcast_in_dim3A_33 = vector.shape_cast %add3A_32 : vector<512x768xf32> to vector<1x512x768xf32>
    %swap3A = arith.constant 0 : index
    %swap3A_34 = arith.constant 0 : index
    %swap3A_35 = arith.constant 0 : index
    %swap3A_36 = vector.load %arg6[%swap3A, %swap3A_34, %swap3A_35] : memref<1x512x768xf32, #tpu.memory_space<vmem>>, vector<1x512x768xf32>
    tpu.vector_store %arg6[%swap3A, %swap3A_34, %swap3A_35], %broadcast_in_dim3A_33 {strides = array<i32>} : memref<1x512x768xf32, #tpu.memory_space<vmem>>, vector<1x512x768xf32>,
    return
  }
  func.func @transform_1(%arg0: i32) -> (i32, i32) {
    %c0_i32 = arith.constant 0 : i32
    %c0_i32_0 = arith.constant 0 : i32
    return %arg0, %c0_i32 : i32, i32
  }
  func.func @transform_2(%arg0: i32) -> (i32, i32) {
    %jit3A = arith.constant 1 : i32
    %eq3A = arith.constant 0 : i32
    %eq3A_0 = arith.cmpi eq, %jit3A, %eq3A : i32
    %jit3A_1 = arith.constant 1 : i32
    %select_n3A = arith.select %eq3A_0, %jit3A_1, %jit3A : i32
    %rem3A = arith.remsi %arg0, %select_n3A : i32
    %ne3A = arith.constant 0 : i32
    %ne3A_2 = arith.cmpi ne, %rem3A, %ne3A : i32
    %lt3A = arith.constant 0 : i32
    %lt3A_3 = arith.cmpi slt, %rem3A, %lt3A : i32
    %lt3A_4 = arith.constant 0 : i32
    %lt3A_5 = arith.cmpi slt, %select_n3A, %lt3A_4 : i32
    %ne3A_6 = arith.xori %lt3A_3, %lt3A_5 : i1
    %and3A = arith.andi %ne3A_6, %ne3A_2 : i1
    %add3A = arith.addi %rem3A, %select_n3A : i32
    %select_n3A_7 = arith.select %and3A, %add3A, %rem3A : i32
    %c0_i32 = arith.constant 0 : i32
    %c0_i32_8 = arith.constant 0 : i32
    return %select_n3A_7, %c0_i32 : i32, i32
  }
  func.func @transform_3(%arg0: i32) -> (i32, i32) {
    %c0_i32 = arith.constant 0 : i32
    %c0_i32_0 = arith.constant 0 : i32
    %c0_i32_1 = arith.constant 0 : i32
    return %c0_i32, %c0_i32_0 : i32, i32
  }
  func.func @transform_4(%arg0: i32) -> (i32, i32) {
    %c0_i32 = arith.constant 0 : i32
    %c0_i32_0 = arith.constant 0 : i32
    %c0_i32_1 = arith.constant 0 : i32
    return %c0_i32, %c0_i32_0 : i32, i32
  }
  func.func @transform_5(%arg0: i32) -> (i32, i32, i32) {
    %jit3A = arith.constant 1 : i32
    %div3A = arith.divsi %arg0, %jit3A : i32
    %sign3A = arith.constant 0 : i32
    %sign3A_0 = arith.cmpi sgt, %arg0, %sign3A : i32
    %sign3A_1 = arith.extui %sign3A_0 : i1 to i32
    %sign3A_2 = arith.constant 0 : i32
    %sign3A_3 = arith.cmpi slt, %arg0, %sign3A_2 : i32
    %sign3A_4 = arith.extui %sign3A_3 : i1 to i32
    %sign3A_5 = arith.subi %sign3A_1, %sign3A_4 : i32
    %sign3A_6 = arith.constant 0 : i32
    %sign3A_7 = arith.cmpi sgt, %jit3A, %sign3A_6 : i32
    %sign3A_8 = arith.extui %sign3A_7 : i1 to i32
    %sign3A_9 = arith.constant 0 : i32
    %sign3A_10 = arith.cmpi slt, %jit3A, %sign3A_9 : i32
    %sign3A_11 = arith.extui %sign3A_10 : i1 to i32
    %sign3A_12 = arith.subi %sign3A_8, %sign3A_11 : i32
    %ne3A = arith.cmpi ne, %sign3A_5, %sign3A_12 : i32
    %rem3A = arith.remsi %arg0, %jit3A : i32
    %ne3A_13 = arith.constant 0 : i32
    %ne3A_14 = arith.cmpi ne, %rem3A, %ne3A_13 : i32
    %and3A = arith.andi %ne3A, %ne3A_14 : i1
    %sub3A = arith.constant 1 : i32
    %sub3A_15 = arith.subi %div3A, %sub3A : i32
    %select_n3A = arith.select %and3A, %sub3A_15, %div3A : i32
    %add3A = arith.constant 20 : i32
    %add3A_16 = arith.addi %add3A, %select_n3A : i32
    %jit3A_17 = arith.constant 1 : i32
    %eq3A = arith.constant 0 : i32
    %eq3A_18 = arith.cmpi eq, %jit3A_17, %eq3A : i32
    %jit3A_19 = arith.constant 1 : i32
    %select_n3A_20 = arith.select %eq3A_18, %jit3A_19, %jit3A_17 : i32
    %rem3A_21 = arith.remsi %arg0, %select_n3A_20 : i32
    %ne3A_22 = arith.constant 0 : i32
    %ne3A_23 = arith.cmpi ne, %rem3A_21, %ne3A_22 : i32
    %lt3A = arith.constant 0 : i32
    %lt3A_24 = arith.cmpi slt, %rem3A_21, %lt3A : i32
    %lt3A_25 = arith.constant 0 : i32
    %lt3A_26 = arith.cmpi slt, %select_n3A_20, %lt3A_25 : i32
    %ne3A_27 = arith.xori %lt3A_24, %lt3A_26 : i1
    %and3A_28 = arith.andi %ne3A_27, %ne3A_23 : i1
    %add3A_29 = arith.addi %rem3A_21, %select_n3A_20 : i32
    %select_n3A_30 = arith.select %and3A_28, %add3A_29, %rem3A_21 : i32
    %c0_i32 = arith.constant 0 : i32
    %c0_i32_31 = arith.constant 0 : i32
    return %add3A_16, %select_n3A_30, %c0_i32 : i32, i32, i32
  }
}

module attributes {stable_mosaic.version = 14 : i64} {
  func.func @body(%arg0: i32, %arg1: memref<32x512x768xf32, #tpu.memory_space<any>>, %arg2: memref<512x768xf32, #tpu.memory_space<vmem>>, %arg3: memref<512x768xf32, #tpu.memory_space<vmem>>, %arg4: memref<1x768xf32, #tpu.memory_space<vmem>>, %arg5: memref<1x768xf32, #tpu.memory_space<vmem>>, %arg6: memref<1x512x768xf32, #tpu.memory_space<vmem>>) attributes {dimension_semantics = [#tpu.dimension_semantics<arbitrary>], iteration_bounds = array<i64: 4>, scalar_prefetch = 0 : i64, scratch_operands = 0 : i64, tpu.core_type = #tpu.core_type<tc>, window_params = [{}, {transform_indices = @transform_1, window_bounds = array<i64: 512, 768>}, {transform_indices = @transform_2, window_bounds = array<i64: 512, 768>}, {pipeline_mode = #tpu.pipeline_mode<synchronous>, transform_indices = @transform_3, window_bounds = array<i64: 1, 768>}, {pipeline_mode = #tpu.pipeline_mode<synchronous>, transform_indices = @transform_4, window_bounds = array<i64: 1, 768>}, {transform_indices = @transform_5, window_bounds = array<i64: 1, 512, 768>}]} {
    %get3A = arith.constant 0 : index
    %get3A_0 = arith.constant 0 : index
    %get3A_1 = vector.load %arg2[%get3A, %get3A_0] : memref<512x768xf32, #tpu.memory_space<vmem>>, vector<512x768xf32>
    %get3A_2 = arith.constant 0 : index
    %get3A_3 = arith.constant 0 : index
    %get3A_4 = vector.load %arg3[%get3A_2, %get3A_3] : memref<512x768xf32, #tpu.memory_space<vmem>>, vector<512x768xf32>
    %add3A = arith.addf %get3A_1, %get3A_4 : vector<512x768xf32>
    %reduce_sum3A = arith.constant dense<0.000000e+00> : vector<512xf32>
    %reduce_sum3A_5 = vector.multi_reduction <add>, %add3A, %reduce_sum3A [1] : vector<512x768xf32> to vector<512xf32>
    %broadcast_in_dim3A = vector.shape_cast %reduce_sum3A_5 : vector<512xf32> to vector<512x1xf32>
    %div3A = arith.constant 7.680000e+02 : f32
    %div3A_6 = vector.broadcast %div3A : f32 to vector<512x1xf32>
    %div3A_7 = arith.divf %broadcast_in_dim3A, %div3A_6 : vector<512x1xf32>
    %mul3A = arith.mulf %add3A, %add3A : vector<512x768xf32>
    %reduce_sum3A_8 = arith.constant dense<0.000000e+00> : vector<512xf32>
    %reduce_sum3A_9 = vector.multi_reduction <add>, %mul3A, %reduce_sum3A_8 [1] : vector<512x768xf32> to vector<512xf32>
    %broadcast_in_dim3A_10 = vector.shape_cast %reduce_sum3A_9 : vector<512xf32> to vector<512x1xf32>
    %div3A_11 = arith.constant 7.680000e+02 : f32
    %div3A_12 = vector.broadcast %div3A_11 : f32 to vector<512x1xf32>
    %div3A_13 = arith.divf %broadcast_in_dim3A_10, %div3A_12 : vector<512x1xf32>
    %mul3A_14 = arith.mulf %div3A_7, %div3A_7 : vector<512x1xf32>
    %sub3A = arith.subf %div3A_13, %mul3A_14 : vector<512x1xf32>
    %add3A_15 = arith.constant 9.99999996E-13 : f32
    %add3A_16 = vector.broadcast %add3A_15 : f32 to vector<512x1xf32>
    %add3A_17 = arith.addf %sub3A, %add3A_16 : vector<512x1xf32>
    %rsqrt3A = math.rsqrt %add3A_17 : vector<512x1xf32>
    %get3A_18 = arith.constant 0 : index
    %get3A_19 = arith.constant 0 : index
    %get3A_20 = vector.load %arg4[%get3A_18, %get3A_19] : memref<1x768xf32, #tpu.memory_space<vmem>>, vector<1x768xf32>
    %mul3A_21 = vector.broadcast %rsqrt3A : vector<512x1xf32> to vector<512x768xf32>
    %mul3A_22 = vector.broadcast %get3A_20 : vector<1x768xf32> to vector<512x768xf32>
    %mul3A_23 = arith.mulf %mul3A_21, %mul3A_22 : vector<512x768xf32>
    %get3A_24 = arith.constant 0 : index
    %get3A_25 = arith.constant 0 : index
    %get3A_26 = vector.load %arg5[%get3A_24, %get3A_25] : memref<1x768xf32, #tpu.memory_space<vmem>>, vector<1x768xf32>
    %mul3A_27 = vector.broadcast %div3A_7 : vector<512x1xf32> to vector<512x768xf32>
    %mul3A_28 = arith.mulf %mul3A_27, %mul3A_23 : vector<512x768xf32>
    %sub3A_29 = vector.broadcast %get3A_26 : vector<1x768xf32> to vector<512x768xf32>
    %sub3A_30 = arith.subf %sub3A_29, %mul3A_28 : vector<512x768xf32>
    %mul3A_31 = arith.mulf %add3A, %mul3A_23 : vector<512x768xf32>
    %add3A_32 = arith.addf %mul3A_31, %sub3A_30 : vector<512x768xf32>
    %broadcast_in_dim3A_33 = vector.shape_cast %add3A_32 : vector<512x768xf32> to vector<1x512x768xf32>
    %swap3A = arith.constant 0 : index
    %swap3A_34 = arith.constant 0 : index
    %swap3A_35 = arith.constant 0 : index
    %swap3A_36 = vector.load %arg6[%swap3A, %swap3A_34, %swap3A_35] : memref<1x512x768xf32, #tpu.memory_space<vmem>>, vector<1x512x768xf32>
    tpu.vector_store %arg6[%swap3A, %swap3A_34, %swap3A_35], %broadcast_in_dim3A_33 {strides = array<i32>} : memref<1x512x768xf32, #tpu.memory_space<vmem>>, vector<1x512x768xf32>,
    return
  }
  func.func @transform_1(%arg0: i32) -> (i32, i32) {
    %c0_i32 = arith.constant 0 : i32
    %c0_i32_0 = arith.constant 0 : i32
    return %arg0, %c0_i32 : i32, i32
  }
  func.func @transform_2(%arg0: i32) -> (i32, i32) {
    %jit3A = arith.constant 1 : i32
    %eq3A = arith.constant 0 : i32
    %eq3A_0 = arith.cmpi eq, %jit3A, %eq3A : i32
    %jit3A_1 = arith.constant 1 : i32
    %select_n3A = arith.select %eq3A_0, %jit3A_1, %jit3A : i32
    %rem3A = arith.remsi %arg0, %select_n3A : i32
    %ne3A = arith.constant 0 : i32
    %ne3A_2 = arith.cmpi ne, %rem3A, %ne3A : i32
    %lt3A = arith.constant 0 : i32
    %lt3A_3 = arith.cmpi slt, %rem3A, %lt3A : i32
    %lt3A_4 = arith.constant 0 : i32
    %lt3A_5 = arith.cmpi slt, %select_n3A, %lt3A_4 : i32
    %ne3A_6 = arith.xori %lt3A_3, %lt3A_5 : i1
    %and3A = arith.andi %ne3A_6, %ne3A_2 : i1
    %add3A = arith.addi %rem3A, %select_n3A : i32
    %select_n3A_7 = arith.select %and3A, %add3A, %rem3A : i32
    %c0_i32 = arith.constant 0 : i32
    %c0_i32_8 = arith.constant 0 : i32
    return %select_n3A_7, %c0_i32 : i32, i32
  }
  func.func @transform_3(%arg0: i32) -> (i32, i32) {
    %c0_i32 = arith.constant 0 : i32
    %c0_i32_0 = arith.constant 0 : i32
    %c0_i32_1 = arith.constant 0 : i32
    return %c0_i32, %c0_i32_0 : i32, i32
  }
  func.func @transform_4(%arg0: i32) -> (i32, i32) {
    %c0_i32 = arith.constant 0 : i32
    %c0_i32_0 = arith.constant 0 : i32
    %c0_i32_1 = arith.constant 0 : i32
    return %c0_i32, %c0_i32_0 : i32, i32
  }
  func.func @transform_5(%arg0: i32) -> (i32, i32, i32) {
    %jit3A = arith.constant 1 : i32
    %div3A = arith.divsi %arg0, %jit3A : i32
    %sign3A = arith.constant 0 : i32
    %sign3A_0 = arith.cmpi sgt, %arg0, %sign3A : i32
    %sign3A_1 = arith.extui %sign3A_0 : i1 to i32
    %sign3A_2 = arith.constant 0 : i32
    %sign3A_3 = arith.cmpi slt, %arg0, %sign3A_2 : i32
    %sign3A_4 = arith.extui %sign3A_3 : i1 to i32
    %sign3A_5 = arith.subi %sign3A_1, %sign3A_4 : i32
    %sign3A_6 = arith.constant 0 : i32
    %sign3A_7 = arith.cmpi sgt, %jit3A, %sign3A_6 : i32
    %sign3A_8 = arith.extui %sign3A_7 : i1 to i32
    %sign3A_9 = arith.constant 0 : i32
    %sign3A_10 = arith.cmpi slt, %jit3A, %sign3A_9 : i32
    %sign3A_11 = arith.extui %sign3A_10 : i1 to i32
    %sign3A_12 = arith.subi %sign3A_8, %sign3A_11 : i32
    %ne3A = arith.cmpi ne, %sign3A_5, %sign3A_12 : i32
    %rem3A = arith.remsi %arg0, %jit3A : i32
    %ne3A_13 = arith.constant 0 : i32
    %ne3A_14 = arith.cmpi ne, %rem3A, %ne3A_13 : i32
    %and3A = arith.andi %ne3A, %ne3A_14 : i1
    %sub3A = arith.constant 1 : i32
    %sub3A_15 = arith.subi %div3A, %sub3A : i32
    %select_n3A = arith.select %and3A, %sub3A_15, %div3A : i32
    %add3A = arith.constant 28 : i32
    %add3A_16 = arith.addi %add3A, %select_n3A : i32
    %jit3A_17 = arith.constant 1 : i32
    %eq3A = arith.constant 0 : i32
    %eq3A_18 = arith.cmpi eq, %jit3A_17, %eq3A : i32
    %jit3A_19 = arith.constant 1 : i32
    %select_n3A_20 = arith.select %eq3A_18, %jit3A_19, %jit3A_17 : i32
    %rem3A_21 = arith.remsi %arg0, %select_n3A_20 : i32
    %ne3A_22 = arith.constant 0 : i32
    %ne3A_23 = arith.cmpi ne, %rem3A_21, %ne3A_22 : i32
    %lt3A = arith.constant 0 : i32
    %lt3A_24 = arith.cmpi slt, %rem3A_21, %lt3A : i32
    %lt3A_25 = arith.constant 0 : i32
    %lt3A_26 = arith.cmpi slt, %select_n3A_20, %lt3A_25 : i32
    %ne3A_27 = arith.xori %lt3A_24, %lt3A_26 : i1
    %and3A_28 = arith.andi %ne3A_27, %ne3A_23 : i1
    %add3A_29 = arith.addi %rem3A_21, %select_n3A_20 : i32
    %select_n3A_30 = arith.select %and3A_28, %add3A_29, %rem3A_21 : i32
    %c0_i32 = arith.constant 0 : i32
    %c0_i32_31 = arith.constant 0 : i32
    return %add3A_16, %select_n3A_30, %c0_i32 : i32, i32, i32
  }
}

</mosaic_0001>

<sc_bundles>
// kernel: kernel.10.cloned.1.call-start
scs
__scs_entry_jumppad:
0x0: {  	(pc) =	sbr.rel $0x88, $3  }
0x1: {  	(tag) =	ssettag $0x0;
	lr =	simm.s32 $0x1  }
0x2: {  	[smem:$0x3F9C] =	sst lr;
	_ =	strace $0xD0000000  }
0x3: {  	_ = 	snop  }
0x4: {  	_ = 	snop  }
0x5: {  	_ = 	snop  }
0x6: {  	_ = 	snop  }
0x7: {  	_ = 	snop  }
__scs_overlays_trampoline_lowered:
0x8: {  	[smem:$0x3FAB] =	sst s0  }
0x9: {  	[smem:$0x3FAC] =	sst s1  }
0xa: {  	[smem:$0x3FAD] =	sst s2  }
0xb: {  	[smem:$0x3FAE] =	sst s3  }
0xc: {  	[smem:$0x3FAF] =	sst s4  }
0xd: {  	[smem:$0x3FB0] =	sst s5  }
0xe: {  	[smem:$0x3FB1] =	sst s6  }
0xf: {  	[smem:$0x3FB2] =	sst s7  }
0x10: {  	[smem:$0x3FB3] =	sst s8  }
0x11: {  	[smem:$0x3FB4] =	sst s9;
	s0 =	simm.s32 @!p0 $0x0  }
0x12: {  	s1 =	sld [smem:$0x3F9A];
	s0 =	simm.s32 @p0 $0x1  }
0x13: {  	[smem:$0x3FB5] =	sst s0;
	s0 =	simm.s32 @!p1 $0x0  }
0x14: {  	s2 =	sld [smem:$0x3F99];
	s0 =	simm.s32 @p1 $0x1  }
0x15: {  	[smem:$0x3FB6] =	sst s0;
	s0 =	simm.s32 @!p2 $0x0  }
0x16: {  	s3 =	sld [smem:$0x3FDB];
	s0 =	simm.s32 @p2 $0x1  }
0x17: {  	s4 =	simm.s32 $0x1BF5;
	[smem:$0x3FB8] =	sst s0  }
0x18: {  	s0 =	sld [smem:$0x3F9B];
	_ =	swait.ge [sflag:s4], $0x0  }
0x19: {  	s7 =	sld [smem:$0x3F9C]  }
0x1a: {  	s8 =	sadd.s32 $0xFFFFE003, lr  }
0x1b: {  	s9 =	sadd.s32 $0xFFFFFEF7, lr;
	s5 =	simm.s32 $0xFFFFFFFF;
	p2 =	slt.u32 s8, $0xFFFFF086  }
0x1c: {  	p1 =	slt.u32 s9, $0xF7A;
	s5 =	simm.s32 @!p2 $0x0  }
0x1d: {  	s5 =	simm.s32 @p1 $0x1;
	p0 =	seq.s32 s7, s2  }
0x1e: {  	s7 =	smul.u32 @!p0 $0xF7A, s2;
	p2 =	seq.s32 @!p0 s5, $0x0  }
0x1f: {  	s9 =	smul.u32 $0xF7A, s1;
	s8 =	simm.s32 @!p0 $0x1BF5;
	p2 =	por !p2, p0  }
0x20: {  	[sflag:s8] =	ssyncset.s32 @!p0 $0xFFFFF086;
	s6 =	sadd.s32 @!p0 s3, s7;
	s7 =	simm.s32 @!p0 $0x108  }
0x21: {  	s3 =	sadd.s32 s3, s9;
	s6 =	sadd.s32 @!p0 $0x88, s6;
	s7 =	simm.s32 @p2 $0x1082  }
0x22: {  	[simem:s7], [sflag:s8] =	dma.local @!p0 [hbm:s6], $0xF7A  }
0x23: {  	s9 =	sor.u32 $0xD0000000, s2;
	s6 =	simm.s32 $0x108;
	_ =	swait.ge @!p0 [sflag:s8], $0x0  }
0x24: {  	s3 =	sadd.s32 $0x88, s3;
	s6 =	simm.s32 @!p1 $0x1082;
	[sflag:s4] =	ssyncset.s32 $0xFFFFF086  }
0x25: {  	[simem:s6], [sflag:s4] =	dma.local [hbm:s3], $0xF7A  }
0x26: {  	[smem:$0x3F9C] =	sst s1;
	(tag) =	ssettag s2;
	_ =	strace s9  }
0x27: {  	s1 =	sld [smem:$0x3FAC]  }
0x28: {  	s2 =	sld [smem:$0x3FAD]  }
0x29: {  	s4 =	sld [smem:$0x3FAF]  }
0x2a: {  	p0 =	seq.s32 s5, $0x0;
	s5 =	sld [smem:$0x3FB0]  }
0x2b: {  	s6 =	sld [smem:$0x3FB1]  }
0x2c: {  	s7 =	sld [smem:$0x3FB2]  }
0x2d: {  	s3 =	simm.s32 $0x108;
	s8 =	sld [smem:$0x3FB3]  }
0x2e: {  	s3 =	simm.s32 @!p0 $0x1082;
	s9 =	sld [smem:$0x3FB4]  }
0x2f: {  	lr =	sadd.s32 s0, s3;
	s0 =	sld [smem:$0x3FAB]  }
0x30: {  	s3 =	sld [smem:$0x3FAE]  }
0x31: {  	[smem:$0x3FB7] =	sst s10  }
0x32: {  	s10 =	sld [smem:$0x3FB5];
	_ =	sdelay $0x3  }
0x33: {  	p0 =	seq.s32 s10, $0x1;
	s10 =	sld [smem:$0x3FB7];
	_ =	sdelay $0x3  }
0x34: {  	[smem:$0x3FB7] =	sst s10  }
0x35: {  	s10 =	sld [smem:$0x3FB6];
	_ =	sdelay $0x3  }
0x36: {  	p1 =	seq.s32 s10, $0x1;
	s10 =	sld [smem:$0x3FB7];
	_ =	sdelay $0x3  }
0x37: {  	[smem:$0x3FB7] =	sst s10  }
0x38: {  	s10 =	sld [smem:$0x3FB8]  }
0x39: {  	_ = 	snop;
	(pc) =	sbr.ind lr, $3  }
0x3a: {  	_ = 	snop  }
0x3b: {  	_ = 	snop  }
0x3c: {  	p2 =	seq.s32 s10, $0x1;
	s10 =	sld [smem:$0x3FB7]  }
0x3d: {  	_ =	shalt  }
0x3e: {  	_ =	shalt  }
0x3f: {  	_ =	shalt  }
0x40: {  	_ =	shalt  }
0x41: {  	_ =	shalt  }
0x42: {  	_ =	shalt  }
0x43: {  	_ =	shalt  }
0x44: {  	_ =	shalt  }
0x45: {  	_ =	shalt  }
0x46: {  	_ =	shalt  }
0x47: {  	_ =	shalt  }
0x48: {  	_ =	shalt  }
0x49: {  	_ =	shalt  }
0x4a: {  	_ =	shalt  }
0x4b: {  	_ =	shalt  }
0x4c: {  	_ =	shalt  }
0x4d: {  	_ =	shalt  }
0x4e: {  	_ =	shalt  }
0x4f: {  	_ =	shalt  }
0x50: {  	_ =	shalt  }
0x51: {  	_ =	shalt  }
0x52: {  	_ =	shalt  }
0x53: {  	_ =	shalt  }
0x54: {  	_ =	shalt  }
0x55: {  	_ =	shalt  }
0x56: {  	_ =	shalt  }
0x57: {  	_ =	shalt  }
0x58: {  	_ =	shalt  }
0x59: {  	_ =	shalt  }
0x5a: {  	_ =	shalt  }
0x5b: {  	_ =	shalt  }
0x5c: {  	_ =	shalt  }
0x5d: {  	_ =	shalt  }
0x5e: {  	_ =	shalt  }
0x5f: {  	_ =	shalt  }
0x60: {  	_ =	shalt  }
0x61: {  	_ =	shalt  }
0x62: {  	_ =	shalt  }
0x63: {  	_ =	shalt  }
0x64: {  	_ =	shalt  }
0x65: {  	_ =	shalt  }
0x66: {  	_ =	shalt  }
0x67: {  	_ =	shalt  }
0x68: {  	_ =	shalt  }
0x69: {  	_ =	shalt  }
0x6a: {  	_ =	shalt  }
0x6b: {  	_ =	shalt  }
0x6c: {  	_ =	shalt  }
0x6d: {  	_ =	shalt  }
0x6e: {  	_ =	shalt  }
0x6f: {  	_ =	shalt  }
0x70: {  	_ =	shalt  }
0x71: {  	_ =	shalt  }
0x72: {  	_ =	shalt  }
0x73: {  	_ =	shalt  }
0x74: {  	_ =	shalt  }
0x75: {  	_ =	shalt  }
0x76: {  	_ =	shalt  }
0x77: {  	_ =	shalt  }
0x78: {  	_ =	shalt  }
0x79: {  	_ =	shalt  }
0x7a: {  	_ =	shalt  }
0x7b: {  	_ =	shalt  }
0x7c: {  	_ =	shalt  }
0x7d: {  	_ =	shalt  }
0x7e: {  	_ =	shalt  }
0x7f: {  	_ =	shalt  }
0x80: {  	_ =	shalt  }
0x81: {  	_ =	shalt  }
0x82: {  	_ =	shalt  }
0x83: {  	_ =	shalt  }
0x84: {  	_ =	shalt  }
0x85: {  	_ =	shalt  }
0x86: {  	_ =	shalt  }
0x87: {  	_ =	shalt  }
.Lfunc_end0:
.L_simem_size_0:
called_computation_lowered:
.L_overlay_start_0:
0x88: {  	s2 =	sld [smem:$0x3FD9]  }
0x89: {  	s3 =	sld [smem:$0x3FFE];
	_ =	sdelay $0x1  }
0x8a: {  	s1 =	srdreg.scid  }
0x8b: {  	s0 =	sand.u32 $0x1, s1  }
0x8c: {  	s17 =	sshll.u32 s0, $0xA;
	s2 =	sadd.s32 s3, s2  }
0x8d: {  	s2 =	sadd.s32 s2, s17  }
0x8e: {  	[smem:$0x3FC3] =	sst s2  }
0x8f: {  	_ = 	snop  }
0x90: {  	s2 =	sld [smem:$0x3FC8]  }
0x91: {  	s18 =	sld [smem:$0x3FD0];
	(tm) =	ssettm $0x1  }
0x92: {  	s4 =	sld [smem:$0x3FFB];
	_ =	sdelay $0x3  }
0x93: {  	_ =	strace s4  }
0x94: {  	s4 =	sld [smem:$0x3FFC];
	_ =	sdelay $0x3  }
0x95: {  	_ =	strace s4  }
0x96: {  	s4 =	sld [smem:$0x3FFD];
	_ =	sdelay $0x3  }
0x97: {  	_ =	strace s4  }
0x98: {  	_ =	strace $0x8FFFFFFF  }
0x99: {  	s19 =	sld [smem:$0x3FDB];
	_ =	sdelay $0x1  }
0x9a: {  	s5 =	simm.s32 $_scs_section_size  }
0x9b: {  	s6 =	simm.s32 $_size__tile_overlayer_lowered;
	s7 =	simm.s32 $_tile_overlayer_lowered  }
0x9c: {  	s22 =	simm.s32 $0x1BFF;
	s21 =	sshll.u32 s7, $0x1;
	s4 =	sadd.s32 s5, s19  }
0x9d: {  	s8 =	simm.s32 $0x0;
	s20 =	sshll.u32 s6, $0x1;
	s6 =	sadd.s32 s21, s4  }
0x9e: {  	[timem:s8], [sflag:s22] =	dma.local [hbm:s6], s20  }
0x9f: {  	_ =	swait.ge [sflag:s22], s20  }
0xa0: {  	s5 =	ssub.s32 $0x0, s20;
	[sflag:s22] =	ssyncset.done $0x0  }
0xa1: {  	[sflag:s22] =	ssyncadd.s32 s5;
	_ =	sdelay $0x1  }
0xa2: {  	s23 =	simm.s32 $0x1B8B  }
0xa3: {  	_ =	swait.ge [sflag:s23], $0x1  }
0xa4: {  	[sflag:s23] =	ssyncset.done $0x0  }
0xa5: {  	s25 =	simm.s32 $0x1B8E;
	s24 =	sld [smem:$0x3FFE];
	[sflag:s23] =	ssyncadd.s32 $0xFFFFFFFF  }
0xa6: {  	s26 =	simm.s32 $execute0_lowered;
	[smem:$0x3FD2] =	sst s25  }
0xa7: {  	s6 =	sshll.u32 s26, $0x1;
	_ =	strace $0x80000046;
	[dreg:$0x1] =	wrdreg $0xFFFFFFFF  }
0xa8: {  	s28 =	simm.s32 $_size_execute0_lowered;
	s4 =	sadd.s32 s4, s6;
	[dreg:$0x0] =	wrdreg $0x0  }
0xa9: {  	s6 =	sshll.u32 s28, $0x1;
	[dreg:$0x2] =	wrdreg s4  }
0xaa: {  	[dreg:$0x3] =	wrdreg s6  }
0xab: {  	[dreg:$0x4] =	wrdreg $0xC0  }
0xac: {  	_ =	task [dreg:s8], $0x5FFFF  }
0xad: {  	[dreg:$0x1] =	wrdreg $0xFFFFFFFF  }
0xae: {  	[dreg:$0x0] =	wrdreg $0x60  }
0xaf: {  	[dreg:$0x2] =	wrdreg s2  }
0xb0: {  	[dreg:$0x3] =	wrdreg s24  }
0xb1: {  	[dreg:$0x4] =	wrdreg s18  }
0xb2: {  	[dreg:$0x5] =	wrdreg $0x9  }
0xb3: {  	_ =	task.clear_ibuf [dreg:s8], $0x6FFFF;
	_ =	strace $0x90000046  }
0xb4: {  	s29 =	simm.s32 $0x9;
	_ =	strace $0x80000048  }
0xb5: {  	_ =	swait.ge [sflag:s29], $0x1  }
0xb6: {  	[sflag:s29] =	ssyncadd.s32 $0xFFFFFFFF  }
0xb7: {  	_ =	strace $0x90000048  }
0xb8: {  	_ =	sfence  }
0xb9: {  	s30 =	sld [smem:$0x0];
	_ =	sdelay $0x2  }
0xba: {  	s31 =	sshll.u32 s1, $0xD;
	s1 =	sshrl.u32 s1, $0x2  }
0xbb: {  	s3 =	sand.u32 $0x4000, s31;
	s1 =	sadd.s32 s1, s30  }
0xbc: {  	s0 =	sor.u32 s3, s0;
	s1 =	sshll.u32 s1, $0x11  }
0xbd: {  	s0 =	sor.u32 s1, s0  }
0xbe: {  	s0 =	sadd.s32 $0x8F2B, s0  }
0xbf: {  	[sflag:s0] =	ssyncadd.remote.s32 $0x1  }
0xc0: {  	_ =	sfence.sel $0xFFFF  }
0xc1: {  	[dreg:$0x0] =	wrdreg $0xFFFFFFFF;
	(pc) =	sbr.abs _section_cstart, $3  }
0xc2: {  	[dreg:$0x1] =	wrdreg $0xFFFFFFFF  }
0xc3: {  	_ =	task.clear_ibuf [dreg:s8], $0x2FFFF;
	_ =	strace $0x9FFFFFFF  }
0xc4: {  	(tm) =	ssettm $0x7FFFFFFF  }
0xc5: {  	_ =	shalt  }
tec
execute0_lowered:
.L_overlay_start_1:
0x0: {  	(tag) =	ssettag $0x1  }
0x1: {  	s2 =	rddreg [dreg:$0x0]  }
0x2: {  	s4 =	rddreg [dreg:$0x1]  }
0x3: {  	s5 =	rddreg [dreg:$0x2];
	s3 =	simm.s32 $0x0  }
0x4: {  	s25 =	simm.s32 $0xC900;
	[smem:$0x7FF] =	sst s3  }
0x5: {  	s7 =	simm.s32 $0xE100;
	_ =	strace $0x80000047;
	[dreg:$0x7] =	wrdreg s25  }
0x6: {  	s8 =	simm.s32 $0xE900;
	[dreg:$0xa] =	wrdreg s7  }
0x7: {  	s9 =	simm.s32 $0xF100;
	[dreg:$0xb] =	wrdreg s8  }
0x8: {  	s10 =	simm.s32 $0xF900;
	[dreg:$0xc] =	wrdreg s9  }
0x9: {  	s11 =	simm.s32 $0x10100;
	[dreg:$0xd] =	wrdreg s10  }
0xa: {  	s12 =	simm.s32 $0x10900;
	[dreg:$0xe] =	wrdreg s11  }
0xb: {  	s0 =	srdreg.scid;
	s13 =	simm.s32 $0x11100;
	[dreg:$0xf] =	wrdreg s12  }
0xc: {  	s1 =	stileid.u32;
	s14 =	simm.s32 $0x11900;
	[dreg:$0x10] =	wrdreg s13  }
0xd: {  	s15 =	simm.s32 $0x12100;
	s16 =	simm.s32 $0x12900;
	[dreg:$0x11] =	wrdreg s14  }
0xe: {  	s17 =	simm.s32 $0x13100;
	s18 =	simm.s32 $0x13900;
	[dreg:$0x12] =	wrdreg s15  }
0xf: {  	s19 =	simm.s32 $0x14100;
	s20 =	simm.s32 $0x14900;
	[dreg:$0x13] =	wrdreg s16  }
0x10: {  	s21 =	simm.s32 $0x15100;
	s28 =	simm.s32 $0x7100;
	[dreg:$0x14] =	wrdreg s17  }
0x11: {  	s29 =	simm.s32 $0x7900;
	s30 =	simm.s32 $0x8100;
	[dreg:$0x15] =	wrdreg s18  }
0x12: {  	s0 =	sand.u32 $0x1, s0;
	s1 =	sshll.u32 s1, $0x1;
	[dreg:$0x16] =	wrdreg s19  }
0x13: {  	s31 =	simm.s32 $0x8900;
	s1 =	sor.u32 s0, s1;
	[dreg:$0x17] =	wrdreg s20  }
0x14: {  	s0 =	ssub.s32 $0x2, s0;
	s8 =	simm.s32 $0x3;
	[dreg:$0x18] =	wrdreg s21  }
0x15: {  	s25 =	simm.s32 $0x17100;
	s10 =	simm.s32 $0x1;
	s14 =	simm.s32 $0x900  }
0x16: {  	s15 =	simm.s32 $0x1100;
	s16 =	simm.s32 $0x1900;
	s17 =	simm.s32 $0x2100  }
0x17: {  	s18 =	simm.s32 $0x2900;
	s19 =	simm.s32 $0x3100;
	s1 =	smul.u32 $0xC0, s1  }
0x18: {  	s20 =	simm.s32 $0x3900;
	s21 =	simm.s32 $0x4100;
	s26 =	sshrl.u32 s0, $0x1  }
0x19: {  	[dreg:$0x1c] =	wrdreg s25;
	s0 =	ssub.s32 s0, s26;
	s1 =	sshrl.u32 s1, $0x3  }
0x1a: {  	s26 =	simm.s32 $0x17900;
	s6 =	smul.u32 $0x300, s1;
	s1 =	sadd.s32 s1, s4  }
0x1b: {  	s11 =	simm.s32 $0xA900;
	[dreg:$0x1d] =	wrdreg s26;
	s1 =	sadd.s32 $0x1E00, s1  }
0x1c: {  	s9 =	simm.s32 $0xB100;
	s22 =	sadd.s32 s5, s6;
	[dreg:$0x4] =	wrdreg s1  }
0x1d: {  	s25 =	simm.s32 $0x6100;
	s5 =	simm.s32 $0xD100;
	[dreg:$0x1e] =	wrdreg s22  }
0x1e: {  	s7 =	smax.u32 s0, $0x1;
	s6 =	simm.s32 $0xD900;
	[dreg:$0x8] =	wrdreg s5  }
0x1f: {  	s0 =	simm.s32 $0x100;
	s23 =	sadd.s32 $0x1800, s22;
	[dreg:$0x9] =	wrdreg s6  }
0x20: {  	s26 =	simm.s32 $0x6900;
	s24 =	sadd.s32 $0x3000, s22;
	[dreg:$0x5] =	wrdreg s23  }
0x21: {  	s5 =	sadd.s32 $0x100, s2;
	s22 =	simm.s32 $0x15900;
	[dreg:$0x6] =	wrdreg s24  }
0x22: {  	v2 =	vlaneseq.u32;
	s6 =	sadd.s32 $0x200, s2;
	[dreg:$0x19] =	wrdreg s22;
	s23 =	simm.s32 $0x16100  }
0x23: {  	vm0 =	vmmov $0xffff;
	v1 =	vshrl.u32 v2, $0x3;
	s24 =	simm.s32 $0x16900;
	s22 =	simm.s32 $0x4900;
	[dreg:$0x1a] =	wrdreg s23  }
0x24: {  	v0 =	vand.u32 $0x7, v2;
	v2 =	vor.u32 $0x8, v2;
	v1 =	vmul.u32 $0x8, v1;
	[dreg:$0x1b] =	wrdreg s24;
	s23 =	simm.s32 $0x5100;
	s24 =	simm.s32 $0x5900  }
.LBB2_1:
0x25: {  	s12 =	rddreg [dreg:$0x4]  }
0x26: {  	[tilespmem:s3], [sflag:$0x3] =	stream.linear.gather [hbm4b:s12+s3], $0xC0, $0x38;
	[tilespmem:$0x18100] =	vst v63  }
0x27: {  	_ =	swait.ge [sflag:s8], $0xC0  }
0x28: {  	[sflag:s8] =	ssyncset.done $0x0  }
0x29: {  	[sflag:s8] =	ssyncadd.s32 $0xFFFFFF40  }
0x2a: {  	v3 =	vld [tilespmem:$0x0];
	_ =	sdelay $0x4  }
0x2b: {  	v4 =	vshrl.u32 v3, $0x3  }
0x2c: {  	v4 =	vmul.u32 $0x30, v4  }
0x2d: {  	v3 =	vand.u32 $0x7, v3  }
0x2e: {  	v3 =	vor.u32 v3, v4  }
0x2f: {  	v4 =	vperm.xlane v3, v0;
	_ =	sdelay $0x1  }
0x30: {  	v4 =	vadd.s32 v1, v4;
	_ =	sdelay $0x3  }
0x31: {  	v3 =	vperm.xlane v3, v2  }
0x32: {  	[tilespmem:s0], [sflag:$0x1] =	stream.indirect_vreg.gather [hbm4b:s2+s3], $0x80, v4, vm0, $0xb8;
	[tilespmem:$0x18100] =	vst v63  }
0x33: {  	v3 =	vadd.s32 v1, v3  }
0x34: {  	[tilespmem:s14], [sflag:$0x1] =	stream.indirect_vreg.gather [hbm4b:s5+s3], $0x80, v4, vm0, $0xb8;
	[tilespmem:$0x18100] =	vst v63  }
0x35: {  	_ = 	snop  }
0x36: {  	[tilespmem:s15], [sflag:$0x1] =	stream.indirect_vreg.gather [hbm4b:s6+s3], $0x80, v4, vm0, $0xb8;
	[tilespmem:$0x18100] =	vst v63  }
0x37: {  	_ = 	snop  }
0x38: {  	[tilespmem:s16], [sflag:$0x1] =	stream.indirect_vreg.gather [hbm4b:s2+s3], $0x80, v3, vm0, $0xb8;
	[tilespmem:$0x18100] =	vst v63  }
0x39: {  	_ = 	snop  }
0x3a: {  	[tilespmem:s17], [sflag:$0x1] =	stream.indirect_vreg.gather [hbm4b:s5+s3], $0x80, v3, vm0, $0xb8;
	[tilespmem:$0x18100] =	vst v63  }
0x3b: {  	_ = 	snop  }
0x3c: {  	[tilespmem:s18], [sflag:$0x1] =	stream.indirect_vreg.gather [hbm4b:s6+s3], $0x80, v3, vm0, $0xb8;
	[tilespmem:$0x18100] =	vst v63  }
0x3d: {  	v3 =	vld [tilespmem:$0x10];
	_ =	sdelay $0x4  }
0x3e: {  	v53 =	vshrl.u32 v3, $0x3  }
0x3f: {  	v4 =	vmul.u32 $0x30, v53  }
0x40: {  	v3 =	vand.u32 $0x7, v3  }
0x41: {  	v3 =	vor.u32 v3, v4  }
0x42: {  	v4 =	vperm.xlane v3, v0;
	_ =	sdelay $0x1  }
0x43: {  	v4 =	vadd.s32 v1, v4;
	_ =	sdelay $0x3  }
0x44: {  	v3 =	vperm.xlane v3, v2  }
0x45: {  	[tilespmem:s19], [sflag:$0x1] =	stream.indirect_vreg.gather [hbm4b:s2+s3], $0x80, v4, vm0, $0xb8;
	[tilespmem:$0x18100] =	vst v63  }
0x46: {  	v3 =	vadd.s32 v1, v3  }
0x47: {  	[tilespmem:s20], [sflag:$0x1] =	stream.indirect_vreg.gather [hbm4b:s5+s3], $0x80, v4, vm0, $0xb8;
	[tilespmem:$0x18100] =	vst v63  }
0x48: {  	_ = 	snop  }
0x49: {  	[tilespmem:s21], [sflag:$0x1] =	stream.indirect_vreg.gather [hbm4b:s6+s3], $0x80, v4, vm0, $0xb8;
	[tilespmem:$0x18100] =	vst v63  }
0x4a: {  	_ = 	snop  }
0x4b: {  	[tilespmem:s22], [sflag:$0x1] =	stream.indirect_vreg.gather [hbm4b:s2+s3], $0x80, v3, vm0, $0xb8;
	[tilespmem:$0x18100] =	vst v63  }
0x4c: {  	_ = 	snop  }
0x4d: {  	[tilespmem:s23], [sflag:$0x1] =	stream.indirect_vreg.gather [hbm4b:s5+s3], $0x80, v3, vm0, $0xb8;
	[tilespmem:$0x18100] =	vst v63  }
0x4e: {  	_ = 	snop  }
0x4f: {  	[tilespmem:s24], [sflag:$0x1] =	stream.indirect_vreg.gather [hbm4b:s6+s3], $0x80, v3, vm0, $0xb8;
	[tilespmem:$0x18100] =	vst v63  }
0x50: {  	v3 =	vld [tilespmem:$0x20];
	_ =	sdelay $0x4  }
0x51: {  	v54 =	vshrl.u32 v3, $0x3  }
0x52: {  	v4 =	vmul.u32 $0x30, v54  }
0x53: {  	v3 =	vand.u32 $0x7, v3  }
0x54: {  	v3 =	vor.u32 v3, v4  }
0x55: {  	v4 =	vperm.xlane v3, v0;
	_ =	sdelay $0x1  }
0x56: {  	v4 =	vadd.s32 v1, v4;
	_ =	sdelay $0x3  }
0x57: {  	v3 =	vperm.xlane v3, v2  }
0x58: {  	[tilespmem:s25], [sflag:$0x1] =	stream.indirect_vreg.gather [hbm4b:s2+s3], $0x80, v4, vm0, $0xb8;
	[tilespmem:$0x18100] =	vst v63  }
0x59: {  	v3 =	vadd.s32 v1, v3  }
0x5a: {  	[tilespmem:s26], [sflag:$0x1] =	stream.indirect_vreg.gather [hbm4b:s5+s3], $0x80, v4, vm0, $0xb8;
	[tilespmem:$0x18100] =	vst v63  }
0x5b: {  	_ = 	snop  }
0x5c: {  	[tilespmem:s28], [sflag:$0x1] =	stream.indirect_vreg.gather [hbm4b:s6+s3], $0x80, v4, vm0, $0xb8;
	[tilespmem:$0x18100] =	vst v63  }
0x5d: {  	_ = 	snop  }
0x5e: {  	[tilespmem:s29], [sflag:$0x1] =	stream.indirect_vreg.gather [hbm4b:s2+s3], $0x80, v3, vm0, $0xb8;
	[tilespmem:$0x18100] =	vst v63  }
0x5f: {  	_ = 	snop  }
0x60: {  	[tilespmem:s30], [sflag:$0x1] =	stream.indirect_vreg.gather [hbm4b:s5+s3], $0x80, v3, vm0, $0xb8;
	[tilespmem:$0x18100] =	vst v63  }
0x61: {  	_ = 	snop  }
0x62: {  	[tilespmem:s31], [sflag:$0x1] =	stream.indirect_vreg.gather [hbm4b:s6+s3], $0x80, v3, vm0, $0xb8;
	[tilespmem:$0x18100] =	vst v63  }
0x63: {  	v3 =	vld [tilespmem:$0x30];
	_ =	sdelay $0x4  }
0x64: {  	v55 =	vshrl.u32 v3, $0x3  }
0x65: {  	v4 =	vmul.u32 $0x30, v55  }
0x66: {  	v3 =	vand.u32 $0x7, v3  }
0x67: {  	v3 =	vor.u32 v3, v4  }
0x68: {  	v4 =	vperm.xlane v3, v0;
	_ =	sdelay $0x1  }
0x69: {  	v4 =	vadd.s32 v1, v4;
	_ =	sdelay $0x3  }
0x6a: {  	s1 =	simm.s32 $0x9100;
	v3 =	vperm.xlane v3, v2  }
0x6b: {  	[tilespmem:s1], [sflag:$0x1] =	stream.indirect_vreg.gather [hbm4b:s2+s3], $0x80, v4, vm0, $0xb8;
	[tilespmem:$0x18100] =	vst v63  }
0x6c: {  	s4 =	simm.s32 $0x9900;
	v3 =	vadd.s32 v1, v3  }
0x6d: {  	[tilespmem:s4], [sflag:$0x1] =	stream.indirect_vreg.gather [hbm4b:s5+s3], $0x80, v4, vm0, $0xb8;
	[tilespmem:$0x18100] =	vst v63  }
0x6e: {  	s4 =	simm.s32 $0xA100  }
0x6f: {  	[tilespmem:s4], [sflag:$0x1] =	stream.indirect_vreg.gather [hbm4b:s6+s3], $0x80, v4, vm0, $0xb8;
	[tilespmem:$0x18100] =	vst v63  }
0x70: {  	_ = 	snop  }
0x71: {  	[tilespmem:s11], [sflag:$0x1] =	stream.indirect_vreg.gather [hbm4b:s2+s3], $0x80, v3, vm0, $0xb8;
	[tilespmem:$0x18100] =	vst v63  }
0x72: {  	_ = 	snop  }
0x73: {  	[tilespmem:s9], [sflag:$0x1] =	stream.indirect_vreg.gather [hbm4b:s5+s3], $0x80, v3, vm0, $0xb8;
	[tilespmem:$0x18100] =	vst v63  }
0x74: {  	s12 =	simm.s32 $0xB900  }
0x75: {  	[tilespmem:s12], [sflag:$0x1] =	stream.indirect_vreg.gather [hbm4b:s6+s3], $0x80, v3, vm0, $0xb8;
	[tilespmem:$0x18100] =	vst v63  }
0x76: {  	v3 =	vld [tilespmem:$0x40];
	_ =	sdelay $0x4  }
0x77: {  	v56 =	vshrl.u32 v3, $0x3  }
0x78: {  	v4 =	vmul.u32 $0x30, v56  }
0x79: {  	v3 =	vand.u32 $0x7, v3  }
0x7a: {  	v3 =	vor.u32 v3, v4  }
0x7b: {  	v4 =	vperm.xlane v3, v0;
	_ =	sdelay $0x1  }
0x7c: {  	v4 =	vadd.s32 v1, v4;
	_ =	sdelay $0x3  }
0x7d: {  	s1 =	simm.s32 $0xC100;
	v3 =	vperm.xlane v3, v2  }
0x7e: {  	[tilespmem:s1], [sflag:$0x2] =	stream.indirect_vreg.gather [hbm4b:s2+s3], $0x80, v4, vm0, $0xb8;
	[tilespmem:$0x18100] =	vst v63  }
0x7f: {  	s12 =	rddreg [dreg:$0x7];
	v3 =	vadd.s32 v1, v3  }
0x80: {  	[tilespmem:s12], [sflag:$0x2] =	stream.indirect_vreg.gather [hbm4b:s5+s3], $0x80, v4, vm0, $0xb8;
	[tilespmem:$0x18100] =	vst v63  }
0x81: {  	s13 =	rddreg [dreg:$0x8]  }
0x82: {  	[tilespmem:s13], [sflag:$0x2] =	stream.indirect_vreg.gather [hbm4b:s6+s3], $0x80, v4, vm0, $0xb8;
	[tilespmem:$0x18100] =	vst v63  }
0x83: {  	s12 =	rddreg [dreg:$0x9]  }
0x84: {  	[tilespmem:s12], [sflag:$0x2] =	stream.indirect_vreg.gather [hbm4b:s2+s3], $0x80, v3, vm0, $0xb8;
	[tilespmem:$0x18100] =	vst v63  }
0x85: {  	s13 =	rddreg [dreg:$0xa]  }
0x86: {  	[tilespmem:s13], [sflag:$0x2] =	stream.indirect_vreg.gather [hbm4b:s5+s3], $0x80, v3, vm0, $0xb8;
	[tilespmem:$0x18100] =	vst v63  }
0x87: {  	s12 =	rddreg [dreg:$0xb]  }
0x88: {  	[tilespmem:s12], [sflag:$0x2] =	stream.indirect_vreg.gather [hbm4b:s6+s3], $0x80, v3, vm0, $0xb8;
	[tilespmem:$0x18100] =	vst v63  }
0x89: {  	v3 =	vld [tilespmem:$0x50];
	_ =	sdelay $0x4  }
0x8a: {  	v57 =	vshrl.u32 v3, $0x3  }
0x8b: {  	v4 =	vmul.u32 $0x30, v57  }
0x8c: {  	v3 =	vand.u32 $0x7, v3  }
0x8d: {  	v3 =	vor.u32 v3, v4  }
0x8e: {  	v4 =	vperm.xlane v3, v0;
	_ =	sdelay $0x1  }
0x8f: {  	v4 =	vadd.s32 v1, v4;
	_ =	sdelay $0x3  }
0x90: {  	s12 =	rddreg [dreg:$0xc];
	v3 =	vperm.xlane v3, v2  }
0x91: {  	[tilespmem:s12], [sflag:$0x2] =	stream.indirect_vreg.gather [hbm4b:s2+s3], $0x80, v4, vm0, $0xb8;
	[tilespmem:$0x18100] =	vst v63  }
0x92: {  	s13 =	rddreg [dreg:$0xd];
	v3 =	vadd.s32 v1, v3  }
0x93: {  	[tilespmem:s13], [sflag:$0x2] =	stream.indirect_vreg.gather [hbm4b:s5+s3], $0x80, v4, vm0, $0xb8;
	[tilespmem:$0x18100] =	vst v63  }
0x94: {  	s12 =	rddreg [dreg:$0xe]  }
0x95: {  	[tilespmem:s12], [sflag:$0x2] =	stream.indirect_vreg.gather [hbm4b:s6+s3], $0x80, v4, vm0, $0xb8;
	[tilespmem:$0x18100] =	vst v63  }
0x96: {  	s13 =	rddreg [dreg:$0xf]  }
0x97: {  	[tilespmem:s13], [sflag:$0x2] =	stream.indirect_vreg.gather [hbm4b:s2+s3], $0x80, v3, vm0, $0xb8;
	[tilespmem:$0x18100] =	vst v63  }
0x98: {  	s12 =	rddreg [dreg:$0x10]  }
0x99: {  	[tilespmem:s12], [sflag:$0x2] =	stream.indirect_vreg.gather [hbm4b:s5+s3], $0x80, v3, vm0, $0xb8;
	[tilespmem:$0x18100] =	vst v63  }
0x9a: {  	s13 =	rddreg [dreg:$0x11]  }
0x9b: {  	[tilespmem:s13], [sflag:$0x2] =	stream.indirect_vreg.gather [hbm4b:s6+s3], $0x80, v3, vm0, $0xb8;
	[tilespmem:$0x18100] =	vst v63  }
0x9c: {  	v3 =	vld [tilespmem:$0x60];
	_ =	sdelay $0x4  }
0x9d: {  	v58 =	vshrl.u32 v3, $0x3  }
0x9e: {  	v4 =	vmul.u32 $0x30, v58  }
0x9f: {  	v3 =	vand.u32 $0x7, v3  }
0xa0: {  	v3 =	vor.u32 v3, v4  }
0xa1: {  	v4 =	vperm.xlane v3, v0;
	_ =	sdelay $0x1  }
0xa2: {  	v4 =	vadd.s32 v1, v4;
	_ =	sdelay $0x3  }
0xa3: {  	s12 =	rddreg [dreg:$0x12];
	v3 =	vperm.xlane v3, v2  }
0xa4: {  	[tilespmem:s12], [sflag:$0x2] =	stream.indirect_vreg.gather [hbm4b:s2+s3], $0x80, v4, vm0, $0xb8;
	[tilespmem:$0x18100] =	vst v63  }
0xa5: {  	s13 =	rddreg [dreg:$0x13];
	v3 =	vadd.s32 v1, v3  }
0xa6: {  	[tilespmem:s13], [sflag:$0x2] =	stream.indirect_vreg.gather [hbm4b:s5+s3], $0x80, v4, vm0, $0xb8;
	[tilespmem:$0x18100] =	vst v63  }
0xa7: {  	s12 =	rddreg [dreg:$0x14]  }
0xa8: {  	[tilespmem:s12], [sflag:$0x2] =	stream.indirect_vreg.gather [hbm4b:s6+s3], $0x80, v4, vm0, $0xb8;
	[tilespmem:$0x18100] =	vst v63  }
0xa9: {  	s13 =	rddreg [dreg:$0x15]  }
0xaa: {  	[tilespmem:s13], [sflag:$0x2] =	stream.indirect_vreg.gather [hbm4b:s2+s3], $0x80, v3, vm0, $0xb8;
	[tilespmem:$0x18100] =	vst v63  }
0xab: {  	s12 =	rddreg [dreg:$0x16]  }
0xac: {  	[tilespmem:s12], [sflag:$0x2] =	stream.indirect_vreg.gather [hbm4b:s5+s3], $0x80, v3, vm0, $0xb8;
	[tilespmem:$0x18100] =	vst v63  }
0xad: {  	s13 =	rddreg [dreg:$0x17]  }
0xae: {  	[tilespmem:s13], [sflag:$0x2] =	stream.indirect_vreg.gather [hbm4b:s6+s3], $0x80, v3, vm0, $0xb8;
	[tilespmem:$0x18100] =	vst v63  }
0xaf: {  	v3 =	vld [tilespmem:$0x70];
	_ =	sdelay $0x4  }
0xb0: {  	v59 =	vshrl.u32 v3, $0x3  }
0xb1: {  	v4 =	vmul.u32 $0x30, v59  }
0xb2: {  	v3 =	vand.u32 $0x7, v3  }
0xb3: {  	v3 =	vor.u32 v3, v4  }
0xb4: {  	v4 =	vperm.xlane v3, v0;
	_ =	sdelay $0x1  }
0xb5: {  	v4 =	vadd.s32 v1, v4;
	_ =	sdelay $0x3  }
0xb6: {  	s12 =	rddreg [dreg:$0x18];
	v3 =	vperm.xlane v3, v2  }
0xb7: {  	[tilespmem:s12], [sflag:$0x2] =	stream.indirect_vreg.gather [hbm4b:s2+s3], $0x80, v4, vm0, $0xb8;
	[tilespmem:$0x18100] =	vst v63  }
0xb8: {  	s13 =	rddreg [dreg:$0x19];
	v3 =	vadd.s32 v1, v3  }
0xb9: {  	[tilespmem:s13], [sflag:$0x2] =	stream.indirect_vreg.gather [hbm4b:s5+s3], $0x80, v4, vm0, $0xb8;
	[tilespmem:$0x18100] =	vst v63  }
0xba: {  	s12 =	rddreg [dreg:$0x1a]  }
0xbb: {  	[tilespmem:s12], [sflag:$0x2] =	stream.indirect_vreg.gather [hbm4b:s6+s3], $0x80, v4, vm0, $0xb8;
	[tilespmem:$0x18100] =	vst v63  }
0xbc: {  	s13 =	rddreg [dreg:$0x1b]  }
0xbd: {  	[tilespmem:s13], [sflag:$0x2] =	stream.indirect_vreg.gather [hbm4b:s2+s3], $0x80, v3, vm0, $0xb8;
	[tilespmem:$0x18100] =	vst v63  }
0xbe: {  	s12 =	rddreg [dreg:$0x1c]  }
0xbf: {  	[tilespmem:s12], [sflag:$0x2] =	stream.indirect_vreg.gather [hbm4b:s5+s3], $0x80, v3, vm0, $0xb8;
	[tilespmem:$0x18100] =	vst v63  }
0xc0: {  	s13 =	rddreg [dreg:$0x1d]  }
0xc1: {  	[tilespmem:s13], [sflag:$0x2] =	stream.indirect_vreg.gather [hbm4b:s6+s3], $0x80, v3, vm0, $0xb8;
	[tilespmem:$0x18100] =	vst v63  }
0xc2: {  	_ =	swait.ge [sflag:s10], $0xC000  }
0xc3: {  	[sflag:s10] =	ssyncset.done $0x0  }
0xc4: {  	s13 =	rddreg [dreg:$0x1e];
	[sflag:s10] =	ssyncadd.s32 $0xFFFF4000  }
0xc5: {  	[hbm4b:s13+s3] =	stream.linear.scatter [tilespmem:s0], [sflag:$0x3], $0xC000, $0x38;
	[tilespmem:$0x18100] =	vst v63  }
0xc6: {  	_ =	swait.ge [sflag:s8], $0xC000  }
0xc7: {  	[sflag:s8] =	ssyncset.done $0x0  }
0xc8: {  	[sflag:s8] =	ssyncadd.s32 $0xFFFF4000  }
0xc9: {  	v3 =	vld [tilespmem:$0x80];
	_ =	sdelay $0x4  }
0xca: {  	v60 =	vshrl.u32 v3, $0x3  }
0xcb: {  	v4 =	vmul.u32 $0x30, v60  }
0xcc: {  	v3 =	vand.u32 $0x7, v3  }
0xcd: {  	v3 =	vor.u32 v3, v4  }
0xce: {  	v4 =	vperm.xlane v3, v0;
	_ =	sdelay $0x1  }
0xcf: {  	v4 =	vadd.s32 v1, v4;
	_ =	sdelay $0x3  }
0xd0: {  	v3 =	vperm.xlane v3, v2  }
0xd1: {  	[tilespmem:s0], [sflag:$0x1] =	stream.indirect_vreg.gather [hbm4b:s2+s3], $0x80, v4, vm0, $0xb8;
	[tilespmem:$0x18100] =	vst v63  }
0xd2: {  	v3 =	vadd.s32 v1, v3  }
0xd3: {  	[tilespmem:s14], [sflag:$0x1] =	stream.indirect_vreg.gather [hbm4b:s5+s3], $0x80, v4, vm0, $0xb8;
	[tilespmem:$0x18100] =	vst v63  }
0xd4: {  	_ = 	snop  }
0xd5: {  	[tilespmem:s15], [sflag:$0x1] =	stream.indirect_vreg.gather [hbm4b:s6+s3], $0x80, v4, vm0, $0xb8;
	[tilespmem:$0x18100] =	vst v63  }
0xd6: {  	_ = 	snop  }
0xd7: {  	[tilespmem:s16], [sflag:$0x1] =	stream.indirect_vreg.gather [hbm4b:s2+s3], $0x80, v3, vm0, $0xb8;
	[tilespmem:$0x18100] =	vst v63  }
0xd8: {  	_ = 	snop  }
0xd9: {  	[tilespmem:s17], [sflag:$0x1] =	stream.indirect_vreg.gather [hbm4b:s5+s3], $0x80, v3, vm0, $0xb8;
	[tilespmem:$0x18100] =	vst v63  }
0xda: {  	_ = 	snop  }
0xdb: {  	[tilespmem:s18], [sflag:$0x1] =	stream.indirect_vreg.gather [hbm4b:s6+s3], $0x80, v3, vm0, $0xb8;
	[tilespmem:$0x18100] =	vst v63  }
0xdc: {  	v3 =	vld [tilespmem:$0x90];
	_ =	sdelay $0x4  }
0xdd: {  	v61 =	vshrl.u32 v3, $0x3  }
0xde: {  	v4 =	vmul.u32 $0x30, v61  }
0xdf: {  	v3 =	vand.u32 $0x7, v3  }
0xe0: {  	v3 =	vor.u32 v3, v4  }
0xe1: {  	v4 =	vperm.xlane v3, v0;
	_ =	sdelay $0x1  }
0xe2: {  	v4 =	vadd.s32 v1, v4;
	_ =	sdelay $0x3  }
0xe3: {  	v3 =	vperm.xlane v3, v2  }
0xe4: {  	[tilespmem:s19], [sflag:$0x1] =	stream.indirect_vreg.gather [hbm4b:s2+s3], $0x80, v4, vm0, $0xb8;
	[tilespmem:$0x18100] =	vst v63  }
0xe5: {  	v3 =	vadd.s32 v1, v3  }
0xe6: {  	[tilespmem:s20], [sflag:$0x1] =	stream.indirect_vreg.gather [hbm4b:s5+s3], $0x80, v4, vm0, $0xb8;
	[tilespmem:$0x18100] =	vst v63  }
0xe7: {  	_ = 	snop  }
0xe8: {  	[tilespmem:s21], [sflag:$0x1] =	stream.indirect_vreg.gather [hbm4b:s6+s3], $0x80, v4, vm0, $0xb8;
	[tilespmem:$0x18100] =	vst v63  }
0xe9: {  	_ = 	snop  }
0xea: {  	[tilespmem:s22], [sflag:$0x1] =	stream.indirect_vreg.gather [hbm4b:s2+s3], $0x80, v3, vm0, $0xb8;
	[tilespmem:$0x18100] =	vst v63  }
0xeb: {  	_ = 	snop  }
0xec: {  	[tilespmem:s23], [sflag:$0x1] =	stream.indirect_vreg.gather [hbm4b:s5+s3], $0x80, v3, vm0, $0xb8;
	[tilespmem:$0x18100] =	vst v63  }
0xed: {  	_ = 	snop  }
0xee: {  	[tilespmem:s24], [sflag:$0x1] =	stream.indirect_vreg.gather [hbm4b:s6+s3], $0x80, v3, vm0, $0xb8;
	[tilespmem:$0x18100] =	vst v63  }
0xef: {  	v3 =	vld [tilespmem:$0xA0];
	_ =	sdelay $0x4  }
0xf0: {  	v62 =	vshrl.u32 v3, $0x3  }
0xf1: {  	v4 =	vmul.u32 $0x30, v62  }
0xf2: {  	v3 =	vand.u32 $0x7, v3  }
0xf3: {  	v3 =	vor.u32 v3, v4  }
0xf4: {  	v4 =	vperm.xlane v3, v0;
	_ =	sdelay $0x1  }
0xf5: {  	v4 =	vadd.s32 v1, v4;
	_ =	sdelay $0x3  }
0xf6: {  	v3 =	vperm.xlane v3, v2  }
0xf7: {  	[tilespmem:s25], [sflag:$0x1] =	stream.indirect_vreg.gather [hbm4b:s2+s3], $0x80, v4, vm0, $0xb8;
	[tilespmem:$0x18100] =	vst v63  }
0xf8: {  	v3 =	vadd.s32 v1, v3  }
0xf9: {  	[tilespmem:s26], [sflag:$0x1] =	stream.indirect_vreg.gather [hbm4b:s5+s3], $0x80, v4, vm0, $0xb8;
	[tilespmem:$0x18100] =	vst v63  }
0xfa: {  	_ = 	snop  }
0xfb: {  	[tilespmem:s28], [sflag:$0x1] =	stream.indirect_vreg.gather [hbm4b:s6+s3], $0x80, v4, vm0, $0xb8;
	[tilespmem:$0x18100] =	vst v63  }
0xfc: {  	_ = 	snop  }
0xfd: {  	[tilespmem:s29], [sflag:$0x1] =	stream.indirect_vreg.gather [hbm4b:s2+s3], $0x80, v3, vm0, $0xb8;
	[tilespmem:$0x18100] =	vst v63  }
0xfe: {  	_ = 	snop  }
0xff: {  	[tilespmem:s30], [sflag:$0x1] =	stream.indirect_vreg.gather [hbm4b:s5+s3], $0x80, v3, vm0, $0xb8;
	[tilespmem:$0x18100] =	vst v63  }
0x100: {  	_ = 	snop  }
0x101: {  	[tilespmem:s31], [sflag:$0x1] =	stream.indirect_vreg.gather [hbm4b:s6+s3], $0x80, v3, vm0, $0xb8;
	[tilespmem:$0x18100] =	vst v63  }
0x102: {  	v3 =	vld [tilespmem:$0xB0];
	_ =	sdelay $0x4  }
0x103: {  	v63 =	vshrl.u32 v3, $0x3  }
0x104: {  	v4 =	vmul.u32 $0x30, v63  }
0x105: {  	v3 =	vand.u32 $0x7, v3  }
0x106: {  	v3 =	vor.u32 v3, v4  }
0x107: {  	v4 =	vperm.xlane v3, v0;
	_ =	sdelay $0x1  }
0x108: {  	v4 =	vadd.s32 v1, v4;
	_ =	sdelay $0x3  }
0x109: {  	s13 =	simm.s32 $0x9100;
	v3 =	vperm.xlane v3, v2  }
0x10a: {  	[tilespmem:s13], [sflag:$0x1] =	stream.indirect_vreg.gather [hbm4b:s2+s3], $0x80, v4, vm0, $0xb8;
	[tilespmem:$0x18100] =	vst v63  }
0x10b: {  	v3 =	vadd.s32 v1, v3;
	s13 =	simm.s32 $0x9900  }
0x10c: {  	[tilespmem:s13], [sflag:$0x1] =	stream.indirect_vreg.gather [hbm4b:s5+s3], $0x80, v4, vm0, $0xb8;
	[tilespmem:$0x18100] =	vst v63  }
0x10d: {  	_ = 	snop  }
0x10e: {  	[tilespmem:s4], [sflag:$0x1] =	stream.indirect_vreg.gather [hbm4b:s6+s3], $0x80, v4, vm0, $0xb8;
	[tilespmem:$0x18100] =	vst v63  }
0x10f: {  	_ = 	snop  }
0x110: {  	[tilespmem:s11], [sflag:$0x1] =	stream.indirect_vreg.gather [hbm4b:s2+s3], $0x80, v3, vm0, $0xb8;
	[tilespmem:$0x18100] =	vst v63  }
0x111: {  	_ = 	snop  }
0x112: {  	[tilespmem:s9], [sflag:$0x1] =	stream.indirect_vreg.gather [hbm4b:s5+s3], $0x80, v3, vm0, $0xb8;
	[tilespmem:$0x18100] =	vst v63  }
0x113: {  	s12 =	simm.s32 $0x2;
	s13 =	simm.s32 $0xB900  }
0x114: {  	[tilespmem:s13], [sflag:$0x1] =	stream.indirect_vreg.gather [hbm4b:s6+s3], $0x80, v3, vm0, $0xb8;
	[tilespmem:$0x18100] =	vst v63  }
0x115: {  	_ =	swait.ge [sflag:s12], $0xC000  }
0x116: {  	[sflag:s12] =	ssyncset.done $0x0  }
0x117: {  	s13 =	rddreg [dreg:$0x5];
	[sflag:s12] =	ssyncadd.s32 $0xFFFF4000  }
0x118: {  	[hbm4b:s13+s3] =	stream.linear.scatter [tilespmem:s1], [sflag:$0x3], $0xC000, $0x38;
	[tilespmem:$0x18100] =	vst v63  }
0x119: {  	_ =	swait.ge [sflag:s8], $0xC000  }
0x11a: {  	[sflag:s8] =	ssyncset.done $0x0  }
0x11b: {  	[sflag:s8] =	ssyncadd.s32 $0xFFFF4000  }
0x11c: {  	_ =	swait.ge [sflag:s10], $0xC000  }
0x11d: {  	p0 =	sne.s32 s7, $0x1;
	[sflag:s10] =	ssyncset.done $0x0  }
.Ltmp0:
0x11e: {  	s13 =	rddreg [dreg:$0x6];
	[sflag:s10] =	ssyncadd.s32 $0xFFFF4000;
	(pc) =	sbr.rel @p0 .LBB2_1-.Ltmp0, $4  }
0x11f: {  	[hbm4b:s13+s3] =	stream.linear.scatter [tilespmem:s0], [sflag:$0x3], $0xC000, $0x38;
	[tilespmem:$0x18100] =	vst v63  }
0x120: {  	_ =	swait.ge [sflag:s8], $0xC000  }
0x121: {  	[sflag:s8] =	ssyncset.done $0x0  }
0x122: {  	s7 =	sadd.s32 $0xFFFFFFFF, s7;
	[sflag:s8] =	ssyncadd.s32 $0xFFFF4000  }
0x123: {  	_ =	sfence.sel $0x180000  }
0x124: {  	[bflag:$0x0] =	sbarrier.arrive $0xFFFF  }
0x125: {  	_ =	strace $0x90000047  }
0x126: {  	s0 =	stileid.u32;
	[bflag:$0x2] =	sbarrier.arrive $0xFFFF  }
0x127: {  	p0 =	sne.s32 s0, $0x0;
	s0 =	rddreg [dreg:$0x3]  }
0x128: {  	s0 =	sadd.s32 @!p0 $0x100000, s0  }
0x129: {  	[sflag:s0] =	ssyncadd.tile.s32 @!p0 $0x1;
	_ =	shalt  }
.Lfunc_end2:
_tile_overlayer_lowered:
.L_overlay_start_2:
0x12a: {  	(tag) =	ssettag $0x2  }
0x12b: {  	s0 =	rddreg [dreg:$0x0];
	s2 =	stileid.u32  }
0x12c: {  	s1 =	rddreg [dreg:$0x1];
	p0 =	sne.s32 s2, $0x0  }
0x12d: {  	s3 =	rddreg [dreg:$0x2];
	[bflag:$0x3] =	sbarrier.arrive $0xFFFF;
	s2 =	simm.s32 @!p0 $0x1C03  }
0x12e: {  	[timem:s3], [sflag:s2] =	dma.local @!p0 [hbm:s0], s1  }
0x12f: {  	s0 =	simm.s32 @!p0 $0x3  }
0x130: {  	_ =	swait.ge @!p0 [sflag:s0], s1  }
0x131: {  	s1 =	ssub.s32 @!p0 $0x0, s1;
	[sflag:s0] =	ssyncset.done @!p0 $0x0  }
0x132: {  	[sflag:s0] =	ssyncadd.s32 @!p0 s1  }
0x133: {  	[bflag:$0x3] =	sbarrier.arrive $0xFFFF  }
0x134: {  	_ =	shalt  }

// kernel: kernel.13.cloned.1.call-start
scs
__scs_entry_jumppad:
0x0: {  	(pc) =	sbr.rel $0x88, $3  }
0x1: {  	(tag) =	ssettag $0x0;
	lr =	simm.s32 $0x1  }
0x2: {  	[smem:$0x3F9C] =	sst lr;
	_ =	strace $0xD0000000  }
0x3: {  	_ = 	snop  }
0x4: {  	_ = 	snop  }
0x5: {  	_ = 	snop  }
0x6: {  	_ = 	snop  }
0x7: {  	_ = 	snop  }
__scs_overlays_trampoline_lowered:
0x8: {  	[smem:$0x3FAB] =	sst s0  }
0x9: {  	[smem:$0x3FAC] =	sst s1  }
0xa: {  	[smem:$0x3FAD] =	sst s2  }
0xb: {  	[smem:$0x3FAE] =	sst s3  }
0xc: {  	[smem:$0x3FAF] =	sst s4  }
0xd: {  	[smem:$0x3FB0] =	sst s5  }
0xe: {  	[smem:$0x3FB1] =	sst s6  }
0xf: {  	[smem:$0x3FB2] =	sst s7  }
0x10: {  	[smem:$0x3FB3] =	sst s8  }
0x11: {  	[smem:$0x3FB4] =	sst s9;
	s0 =	simm.s32 @!p0 $0x0  }
0x12: {  	s1 =	sld [smem:$0x3F9A];
	s0 =	simm.s32 @p0 $0x1  }
0x13: {  	[smem:$0x3FB5] =	sst s0;
	s0 =	simm.s32 @!p1 $0x0  }
0x14: {  	s2 =	sld [smem:$0x3F99];
	s0 =	simm.s32 @p1 $0x1  }
0x15: {  	[smem:$0x3FB6] =	sst s0;
	s0 =	simm.s32 @!p2 $0x0  }
0x16: {  	s3 =	sld [smem:$0x3FDB];
	s0 =	simm.s32 @p2 $0x1  }
0x17: {  	s4 =	simm.s32 $0x1BF5;
	[smem:$0x3FB8] =	sst s0  }
0x18: {  	s0 =	sld [smem:$0x3F9B];
	_ =	swait.ge [sflag:s4], $0x0  }
0x19: {  	s7 =	sld [smem:$0x3F9C]  }
0x1a: {  	s8 =	sadd.s32 $0xFFFFE003, lr  }
0x1b: {  	s9 =	sadd.s32 $0xFFFFFEF7, lr;
	s5 =	simm.s32 $0xFFFFFFFF;
	p2 =	slt.u32 s8, $0xFFFFF086  }
0x1c: {  	p1 =	slt.u32 s9, $0xF7A;
	s5 =	simm.s32 @!p2 $0x0  }
0x1d: {  	s5 =	simm.s32 @p1 $0x1;
	p0 =	seq.s32 s7, s2  }
0x1e: {  	s7 =	smul.u32 @!p0 $0xF7A, s2;
	p2 =	seq.s32 @!p0 s5, $0x0  }
0x1f: {  	s9 =	smul.u32 $0xF7A, s1;
	s8 =	simm.s32 @!p0 $0x1BF5;
	p2 =	por !p2, p0  }
0x20: {  	[sflag:s8] =	ssyncset.s32 @!p0 $0xFFFFF086;
	s6 =	sadd.s32 @!p0 s3, s7;
	s7 =	simm.s32 @!p0 $0x108  }
0x21: {  	s3 =	sadd.s32 s3, s9;
	s6 =	sadd.s32 @!p0 $0x88, s6;
	s7 =	simm.s32 @p2 $0x1082  }
0x22: {  	[simem:s7], [sflag:s8] =	dma.local @!p0 [hbm:s6], $0xF7A  }
0x23: {  	s9 =	sor.u32 $0xD0000000, s2;
	s6 =	simm.s32 $0x108;
	_ =	swait.ge @!p0 [sflag:s8], $0x0  }
0x24: {  	s3 =	sadd.s32 $0x88, s3;
	s6 =	simm.s32 @!p1 $0x1082;
	[sflag:s4] =	ssyncset.s32 $0xFFFFF086  }
0x25: {  	[simem:s6], [sflag:s4] =	dma.local [hbm:s3], $0xF7A  }
0x26: {  	[smem:$0x3F9C] =	sst s1;
	(tag) =	ssettag s2;
	_ =	strace s9  }
0x27: {  	s1 =	sld [smem:$0x3FAC]  }
0x28: {  	s2 =	sld [smem:$0x3FAD]  }
0x29: {  	s4 =	sld [smem:$0x3FAF]  }
0x2a: {  	p0 =	seq.s32 s5, $0x0;
	s5 =	sld [smem:$0x3FB0]  }
0x2b: {  	s6 =	sld [smem:$0x3FB1]  }
0x2c: {  	s7 =	sld [smem:$0x3FB2]  }
0x2d: {  	s3 =	simm.s32 $0x108;
	s8 =	sld [smem:$0x3FB3]  }
0x2e: {  	s3 =	simm.s32 @!p0 $0x1082;
	s9 =	sld [smem:$0x3FB4]  }
0x2f: {  	lr =	sadd.s32 s0, s3;
	s0 =	sld [smem:$0x3FAB]  }
0x30: {  	s3 =	sld [smem:$0x3FAE]  }
0x31: {  	[smem:$0x3FB7] =	sst s10  }
0x32: {  	s10 =	sld [smem:$0x3FB5];
	_ =	sdelay $0x3  }
0x33: {  	p0 =	seq.s32 s10, $0x1;
	s10 =	sld [smem:$0x3FB7];
	_ =	sdelay $0x3  }
0x34: {  	[smem:$0x3FB7] =	sst s10  }
0x35: {  	s10 =	sld [smem:$0x3FB6];
	_ =	sdelay $0x3  }
0x36: {  	p1 =	seq.s32 s10, $0x1;
	s10 =	sld [smem:$0x3FB7];
	_ =	sdelay $0x3  }
0x37: {  	[smem:$0x3FB7] =	sst s10  }
0x38: {  	s10 =	sld [smem:$0x3FB8]  }
0x39: {  	_ = 	snop;
	(pc) =	sbr.ind lr, $3  }
0x3a: {  	_ = 	snop  }
0x3b: {  	_ = 	snop  }
0x3c: {  	p2 =	seq.s32 s10, $0x1;
	s10 =	sld [smem:$0x3FB7]  }
0x3d: {  	_ =	shalt  }
0x3e: {  	_ =	shalt  }
0x3f: {  	_ =	shalt  }
0x40: {  	_ =	shalt  }
0x41: {  	_ =	shalt  }
0x42: {  	_ =	shalt  }
0x43: {  	_ =	shalt  }
0x44: {  	_ =	shalt  }
0x45: {  	_ =	shalt  }
0x46: {  	_ =	shalt  }
0x47: {  	_ =	shalt  }
0x48: {  	_ =	shalt  }
0x49: {  	_ =	shalt  }
0x4a: {  	_ =	shalt  }
0x4b: {  	_ =	shalt  }
0x4c: {  	_ =	shalt  }
0x4d: {  	_ =	shalt  }
0x4e: {  	_ =	shalt  }
0x4f: {  	_ =	shalt  }
0x50: {  	_ =	shalt  }
0x51: {  	_ =	shalt  }
0x52: {  	_ =	shalt  }
0x53: {  	_ =	shalt  }
0x54: {  	_ =	shalt  }
0x55: {  	_ =	shalt  }
0x56: {  	_ =	shalt  }
0x57: {  	_ =	shalt  }
0x58: {  	_ =	shalt  }
0x59: {  	_ =	shalt  }
0x5a: {  	_ =	shalt  }
0x5b: {  	_ =	shalt  }
0x5c: {  	_ =	shalt  }
0x5d: {  	_ =	shalt  }
0x5e: {  	_ =	shalt  }
0x5f: {  	_ =	shalt  }
0x60: {  	_ =	shalt  }
0x61: {  	_ =	shalt  }
0x62: {  	_ =	shalt  }
0x63: {  	_ =	shalt  }
0x64: {  	_ =	shalt  }
0x65: {  	_ =	shalt  }
0x66: {  	_ =	shalt  }
0x67: {  	_ =	shalt  }
0x68: {  	_ =	shalt  }
0x69: {  	_ =	shalt  }
0x6a: {  	_ =	shalt  }
0x6b: {  	_ =	shalt  }
0x6c: {  	_ =	shalt  }
0x6d: {  	_ =	shalt  }
0x6e: {  	_ =	shalt  }
0x6f: {  	_ =	shalt  }
0x70: {  	_ =	shalt  }
0x71: {  	_ =	shalt  }
0x72: {  	_ =	shalt  }
0x73: {  	_ =	shalt  }
0x74: {  	_ =	shalt  }
0x75: {  	_ =	shalt  }
0x76: {  	_ =	shalt  }
0x77: {  	_ =	shalt  }
0x78: {  	_ =	shalt  }
0x79: {  	_ =	shalt  }
0x7a: {  	_ =	shalt  }
0x7b: {  	_ =	shalt  }
0x7c: {  	_ =	shalt  }
0x7d: {  	_ =	shalt  }
0x7e: {  	_ =	shalt  }
0x7f: {  	_ =	shalt  }
0x80: {  	_ =	shalt  }
0x81: {  	_ =	shalt  }
0x82: {  	_ =	shalt  }
0x83: {  	_ =	shalt  }
0x84: {  	_ =	shalt  }
0x85: {  	_ =	shalt  }
0x86: {  	_ =	shalt  }
0x87: {  	_ =	shalt  }
.Lfunc_end0:
.L_simem_size_0:
called_computation.1_lowered:
.L_overlay_start_0:
0x88: {  	s2 =	sld [smem:$0x3FD9]  }
0x89: {  	s3 =	sld [smem:$0x3FFE];
	_ =	sdelay $0x1  }
0x8a: {  	s1 =	srdreg.scid  }
0x8b: {  	s0 =	sand.u32 $0x1, s1  }
0x8c: {  	s17 =	sshll.u32 s0, $0xA;
	s2 =	sadd.s32 s3, s2  }
0x8d: {  	s2 =	sadd.s32 s2, s17  }
0x8e: {  	[smem:$0x3FC3] =	sst s2  }
0x8f: {  	_ = 	snop  }
0x90: {  	s18 =	sld [smem:$0x3FC8];
	(tm) =	ssettm $0x1  }
0x91: {  	s19 =	sld [smem:$0x3FFB];
	_ =	sdelay $0x3  }
0x92: {  	_ =	strace s19  }
0x93: {  	s2 =	sld [smem:$0x3FFC];
	_ =	sdelay $0x3  }
0x94: {  	_ =	strace s2  }
0x95: {  	s2 =	sld [smem:$0x3FFD];
	_ =	sdelay $0x3  }
0x96: {  	_ =	strace s2  }
0x97: {  	_ =	strace $0x8FFFFFFF  }
0x98: {  	s20 =	sld [smem:$0x3FDB];
	_ =	sdelay $0x1  }
0x99: {  	s4 =	simm.s32 $_scs_section_size  }
0x9a: {  	s5 =	simm.s32 $_size__tile_overlayer_lowered;
	s6 =	simm.s32 $_tile_overlayer_lowered  }
0x9b: {  	s7 =	simm.s32 $0x1BFF;
	s21 =	sshll.u32 s6, $0x1;
	s4 =	sadd.s32 s4, s20  }
0x9c: {  	s22 =	simm.s32 $0x0;
	s5 =	sshll.u32 s5, $0x1;
	s6 =	sadd.s32 s21, s4  }
0x9d: {  	[timem:s22], [sflag:s7] =	dma.local [hbm:s6], s5  }
0x9e: {  	_ =	swait.ge [sflag:s7], s5  }
0x9f: {  	s5 =	ssub.s32 $0x0, s5;
	[sflag:s7] =	ssyncset.done $0x0  }
0xa0: {  	[sflag:s7] =	ssyncadd.s32 s5;
	_ =	sdelay $0x1  }
0xa1: {  	s23 =	simm.s32 $0x1B8B  }
0xa2: {  	_ =	swait.ge [sflag:s23], $0x1  }
0xa3: {  	[sflag:s23] =	ssyncset.done $0x0  }
0xa4: {  	[sflag:s23] =	ssyncadd.s32 $0xFFFFFFFF  }
0xa5: {  	s5 =	sld [smem:$0x0]  }
0xa6: {  	s6 =	sand.u32 $0xFFFFFFFE, s1  }
0xa7: {  	p0 =	sne.s32 s1, s6  }
0xa8: {  	s6 =	sshll.u32 @p0 s6, $0xE  }
0xa9: {  	s6 =	sadd.s32 @p0 $0x11B8D, s6;
	s7 =	sshll.u32 @p0 s5, $0x11  }
0xaa: {  	s6 =	sor.u32 @p0 s7, s6  }
0xab: {  	[sflag:s6] =	ssyncadd.remote.s32 @p0 $0x1;
	_ =	sdelay $0x1  }
0xac: {  	s6 =	simm.s32 @p0 $0x1B8D  }
0xad: {  	_ =	swait.eq @p0 [sflag:s6], $0x1  }
0xae: {  	[sflag:s6] =	ssyncadd.s32 @p0 $0xFFFFFFFF  }
0xaf: {  	s7 =	sshll.u32 @!p0 s1, $0xE  }
0xb0: {  	s7 =	sor.u32 @!p0 $0x4000, s7;
	s6 =	simm.s32 @!p0 $0x1B8D  }
0xb1: {  	s5 =	sshll.u32 @!p0 s5, $0x11;
	s7 =	sadd.s32 @!p0 $0x11B8D, s7;
	_ =	swait.eq @!p0 [sflag:s6], $0x1  }
0xb2: {  	s5 =	sor.u32 @!p0 s5, s7;
	[sflag:s6] =	ssyncadd.s32 @!p0 $0xFFFFFFFF  }
0xb3: {  	s25 =	simm.s32 $0x1B8E;
	s24 =	sld [smem:$0x3FFE];
	[sflag:s5] =	ssyncadd.remote.s32 @!p0 $0x1  }
0xb4: {  	s26 =	simm.s32 $execute0_lowered;
	[smem:$0x3FD2] =	sst s25  }
0xb5: {  	s6 =	sshll.u32 s26, $0x1;
	_ =	strace $0x80000049;
	[dreg:$0x1] =	wrdreg $0xFFFFFFFF  }
0xb6: {  	s28 =	simm.s32 $_size_execute0_lowered;
	s4 =	sadd.s32 s4, s6;
	[dreg:$0x0] =	wrdreg $0x0  }
0xb7: {  	s6 =	sshll.u32 s28, $0x1;
	[dreg:$0x2] =	wrdreg s4  }
0xb8: {  	[dreg:$0x3] =	wrdreg s6  }
0xb9: {  	[dreg:$0x4] =	wrdreg $0xC0  }
0xba: {  	_ =	task [dreg:s22], $0x5FFFF  }
0xbb: {  	[dreg:$0x1] =	wrdreg $0xFFFFFFFF  }
0xbc: {  	[dreg:$0x0] =	wrdreg $0x60  }
0xbd: {  	[dreg:$0x2] =	wrdreg s18  }
0xbe: {  	[dreg:$0x3] =	wrdreg s24  }
0xbf: {  	[dreg:$0x4] =	wrdreg $0xA  }
0xc0: {  	_ =	task.clear_ibuf [dreg:s22], $0x5FFFF;
	_ =	strace $0x90000049  }
0xc1: {  	s29 =	simm.s32 $0xA;
	_ =	strace $0x8000004B  }
0xc2: {  	_ =	swait.ge [sflag:s29], $0x1  }
0xc3: {  	[sflag:s29] =	ssyncadd.s32 $0xFFFFFFFF  }
0xc4: {  	_ =	strace $0x9000004B  }
0xc5: {  	_ =	sfence  }
0xc6: {  	s30 =	sld [smem:$0x0];
	_ =	sdelay $0x2  }
0xc7: {  	s31 =	sshll.u32 s1, $0xD;
	s1 =	sshrl.u32 s1, $0x2  }
0xc8: {  	s4 =	sand.u32 $0x4000, s31;
	s1 =	sadd.s32 s1, s30  }
0xc9: {  	s0 =	sor.u32 s4, s0;
	s1 =	sshll.u32 s1, $0x11  }
0xca: {  	s0 =	sor.u32 s1, s0  }
0xcb: {  	s0 =	sadd.s32 $0x8F2B, s0  }
0xcc: {  	[sflag:s0] =	ssyncadd.remote.s32 $0x1  }
0xcd: {  	_ =	sfence.sel $0xFFFF  }
0xce: {  	[dreg:$0x0] =	wrdreg $0xFFFFFFFF;
	(pc) =	sbr.abs _section_cstart, $3  }
0xcf: {  	[dreg:$0x1] =	wrdreg $0xFFFFFFFF  }
0xd0: {  	_ =	task.clear_ibuf [dreg:s22], $0x2FFFF;
	_ =	strace $0x9FFFFFFF  }
0xd1: {  	(tm) =	ssettm $0x7FFFFFFF  }
tec
execute0_lowered:
.L_overlay_start_1:
0x0: {  	(tag) =	ssettag $0x1  }
0x1: {  	s1 =	srdreg.scid  }
0x2: {  	s0 =	stileid.u32;
	s1 =	sand.u32 $0x1, s1  }
0x3: {  	s2 =	rddreg [dreg:$0x0];
	s3 =	sshll.u32 s0, $0x8;
	s4 =	sshll.u32 s1, $0x7  }
0x4: {  	s5 =	rddreg [dreg:$0x1];
	s4 =	sor.u32 s4, s3;
	s3 =	simm.s32 $0x0  }
0x5: {  	s23 =	simm.s32 $0x880;
	[smem:$0x7FF] =	sst s3  }
0x6: {  	s24 =	simm.s32 $0x1080;
	_ =	strace $0x8000004A;
	[dreg:$0x6] =	wrdreg s23  }
0x7: {  	s25 =	simm.s32 $0x1880;
	[dreg:$0x7] =	wrdreg s24  }
0x8: {  	s26 =	simm.s32 $0x2080;
	[dreg:$0x8] =	wrdreg s25  }
0x9: {  	s0 =	simm.s32 $0x2880;
	[dreg:$0x9] =	wrdreg s26  }
0xa: {  	s8 =	simm.s32 $0x4880;
	[dreg:$0xa] =	wrdreg s0  }
0xb: {  	s9 =	simm.s32 $0x5080;
	s10 =	simm.s32 $0x5880;
	[dreg:$0xe] =	wrdreg s8  }
0xc: {  	s11 =	simm.s32 $0x6080;
	s12 =	simm.s32 $0x6880;
	[dreg:$0xf] =	wrdreg s9  }
0xd: {  	s13 =	simm.s32 $0x7080;
	s14 =	simm.s32 $0x7880;
	[dreg:$0x10] =	wrdreg s10  }
0xe: {  	s15 =	simm.s32 $0x8080;
	s16 =	simm.s32 $0x8880;
	[dreg:$0x11] =	wrdreg s11  }
0xf: {  	s17 =	simm.s32 $0x9080;
	s18 =	simm.s32 $0x9880;
	[dreg:$0x12] =	wrdreg s12  }
0x10: {  	s20 =	simm.s32 $0xA080;
	s21 =	simm.s32 $0xA880;
	[dreg:$0x13] =	wrdreg s13  }
0x11: {  	s28 =	simm.s32 $0x16880;
	s29 =	simm.s32 $0x17080;
	[dreg:$0x14] =	wrdreg s14  }
0x12: {  	s30 =	simm.s32 $0x17880;
	s1 =	ssub.s32 $0x2, s1;
	[dreg:$0x15] =	wrdreg s15  }
0x13: {  	s31 =	simm.s32 $0x1;
	s19 =	sshrl.u32 s1, $0x1;
	[dreg:$0x16] =	wrdreg s16  }
0x14: {  	s4 =	sshrl.u32 s4, $0x3;
	s1 =	ssub.s32 s1, s19;
	[dreg:$0x17] =	wrdreg s17  }
0x15: {  	s19 =	simm.s32 $0x12880;
	s6 =	smul.u32 $0x1800, s4;
	[dreg:$0x18] =	wrdreg s18  }
0x16: {  	s7 =	sadd.s32 s5, s4;
	s4 =	smul.u32 $0x300, s4;
	[dreg:$0x19] =	wrdreg s20  }
0x17: {  	s5 =	sadd.s32 $0x2600, s5;
	[dreg:$0x1a] =	wrdreg s21;
	s23 =	simm.s32 $0xB880  }
0x18: {  	s24 =	simm.s32 $0xC880;
	s25 =	simm.s32 $0xD080;
	s8 =	simm.s32 $0x80  }
0x19: {  	s26 =	simm.s32 $0xD880;
	s9 =	simm.s32 $0xC080;
	s11 =	simm.s32 $0xE880  }
0x1a: {  	s12 =	simm.s32 $0xF080;
	s13 =	simm.s32 $0xF880;
	s14 =	simm.s32 $0x10080  }
0x1b: {  	s15 =	simm.s32 $0x10880;
	s16 =	simm.s32 $0x11080;
	[dreg:$0x1c] =	wrdreg s23  }
0x1c: {  	s17 =	simm.s32 $0x11880;
	s18 =	simm.s32 $0x12080;
	[dreg:$0x1d] =	wrdreg s24  }
0x1d: {  	s20 =	simm.s32 $0x13080;
	s21 =	simm.s32 $0x13880;
	[dreg:$0x1e] =	wrdreg s25  }
0x1e: {  	s7 =	sadd.s32 $0x2100, s7;
	[dreg:$0x1f] =	wrdreg s26;
	s23 =	simm.s32 $0x14880  }
0x1f: {  	s24 =	simm.s32 $0x15080;
	s25 =	simm.s32 $0x15880;
	s26 =	simm.s32 $0x16080  }
0x20: {  	s6 =	sshrl.u32 s6, $0x3;
	[dreg:$0x3] =	wrdreg s7;
	s4 =	sadd.s32 s5, s4  }
0x21: {  	s7 =	simm.s32 $0x4080;
	s5 =	sadd.s32 s5, s6;
	[dreg:$0x4] =	wrdreg s4  }
0x22: {  	s6 =	simm.s32 $0x3880;
	[dreg:$0xd] =	wrdreg s7;
	s4 =	sadd.s32 $0x100, s2  }
0x23: {  	s7 =	simm.s32 $0x3;
	s22 =	sadd.s32 $0x1800, s5;
	[dreg:$0xc] =	wrdreg s6  }
0x24: {  	v2 =	vlaneseq.u32;
	s5 =	simm.s32 $0x3080;
	s6 =	smax.u32 s1, $0x1;
	[dreg:$0x5] =	wrdreg s22  }
0x25: {  	vm0 =	vmmov $0xffff;
	v1 =	vshrl.u32 v2, $0x3;
	s1 =	simm.s32 $0x2;
	[dreg:$0xb] =	wrdreg s5;
	s22 =	simm.s32 $0xB080  }
0x26: {  	v0 =	vand.u32 $0x7, v2;
	v2 =	vor.u32 $0x8, v2;
	v1 =	vmul.u32 $0x8, v1;
	s5 =	sadd.s32 $0x200, s2;
	[dreg:$0x1b] =	wrdreg s22;
	s22 =	simm.s32 $0x14080  }
.LBB2_1:
0x27: {  	s0 =	rddreg [dreg:$0x3]  }
0x28: {  	[tilespmem:s3], [sflag:$0x3] =	stream.linear.gather [hbm4b:s0+s3], $0x80, $0x38;
	[tilespmem:$0x18080] =	vst v63  }
0x29: {  	_ =	swait.ge [sflag:s7], $0x80  }
0x2a: {  	[sflag:s7] =	ssyncset.done $0x0  }
0x2b: {  	[sflag:s7] =	ssyncadd.s32 $0xFFFFFF80  }
0x2c: {  	v3 =	vld [tilespmem:$0x0];
	_ =	sdelay $0x4  }
0x2d: {  	v4 =	vshrl.u32 v3, $0x3  }
0x2e: {  	v4 =	vmul.u32 $0x30, v4  }
0x2f: {  	v3 =	vand.u32 $0x7, v3  }
0x30: {  	v3 =	vor.u32 v3, v4  }
0x31: {  	v4 =	vperm.xlane v3, v0;
	_ =	sdelay $0x1  }
0x32: {  	v4 =	vadd.s32 v1, v4;
	_ =	sdelay $0x3  }
0x33: {  	v3 =	vperm.xlane v3, v2  }
0x34: {  	[tilespmem:s8], [sflag:$0x1] =	stream.indirect_vreg.gather [hbm4b:s2+s3], $0x80, v4, vm0, $0xb8;
	[tilespmem:$0x18080] =	vst v63  }
0x35: {  	s0 =	rddreg [dreg:$0x6];
	v3 =	vadd.s32 v1, v3  }
0x36: {  	[tilespmem:s0], [sflag:$0x1] =	stream.indirect_vreg.gather [hbm4b:s4+s3], $0x80, v4, vm0, $0xb8;
	[tilespmem:$0x18080] =	vst v63  }
0x37: {  	s10 =	rddreg [dreg:$0x7]  }
0x38: {  	[tilespmem:s10], [sflag:$0x1] =	stream.indirect_vreg.gather [hbm4b:s5+s3], $0x80, v4, vm0, $0xb8;
	[tilespmem:$0x18080] =	vst v63  }
0x39: {  	s0 =	rddreg [dreg:$0x8]  }
0x3a: {  	[tilespmem:s0], [sflag:$0x1] =	stream.indirect_vreg.gather [hbm4b:s2+s3], $0x80, v3, vm0, $0xb8;
	[tilespmem:$0x18080] =	vst v63  }
0x3b: {  	s10 =	rddreg [dreg:$0x9]  }
0x3c: {  	[tilespmem:s10], [sflag:$0x1] =	stream.indirect_vreg.gather [hbm4b:s4+s3], $0x80, v3, vm0, $0xb8;
	[tilespmem:$0x18080] =	vst v63  }
0x3d: {  	s0 =	rddreg [dreg:$0xa]  }
0x3e: {  	[tilespmem:s0], [sflag:$0x1] =	stream.indirect_vreg.gather [hbm4b:s5+s3], $0x80, v3, vm0, $0xb8;
	[tilespmem:$0x18080] =	vst v63  }
0x3f: {  	v3 =	vld [tilespmem:$0x10];
	_ =	sdelay $0x4  }
0x40: {  	v57 =	vshrl.u32 v3, $0x3  }
0x41: {  	v4 =	vmul.u32 $0x30, v57  }
0x42: {  	v3 =	vand.u32 $0x7, v3  }
0x43: {  	v3 =	vor.u32 v3, v4  }
0x44: {  	v4 =	vperm.xlane v3, v0;
	_ =	sdelay $0x1  }
0x45: {  	v4 =	vadd.s32 v1, v4;
	_ =	sdelay $0x3  }
0x46: {  	s0 =	rddreg [dreg:$0xb];
	v3 =	vperm.xlane v3, v2  }
0x47: {  	[tilespmem:s0], [sflag:$0x1] =	stream.indirect_vreg.gather [hbm4b:s2+s3], $0x80, v4, vm0, $0xb8;
	[tilespmem:$0x18080] =	vst v63  }
0x48: {  	s10 =	rddreg [dreg:$0xc];
	v3 =	vadd.s32 v1, v3  }
0x49: {  	[tilespmem:s10], [sflag:$0x1] =	stream.indirect_vreg.gather [hbm4b:s4+s3], $0x80, v4, vm0, $0xb8;
	[tilespmem:$0x18080] =	vst v63  }
0x4a: {  	s0 =	rddreg [dreg:$0xd]  }
0x4b: {  	[tilespmem:s0], [sflag:$0x1] =	stream.indirect_vreg.gather [hbm4b:s5+s3], $0x80, v4, vm0, $0xb8;
	[tilespmem:$0x18080] =	vst v63  }
0x4c: {  	s10 =	rddreg [dreg:$0xe]  }
0x4d: {  	[tilespmem:s10], [sflag:$0x1] =	stream.indirect_vreg.gather [hbm4b:s2+s3], $0x80, v3, vm0, $0xb8;
	[tilespmem:$0x18080] =	vst v63  }
0x4e: {  	s0 =	rddreg [dreg:$0xf]  }
0x4f: {  	[tilespmem:s0], [sflag:$0x1] =	stream.indirect_vreg.gather [hbm4b:s4+s3], $0x80, v3, vm0, $0xb8;
	[tilespmem:$0x18080] =	vst v63  }
0x50: {  	s10 =	rddreg [dreg:$0x10]  }
0x51: {  	[tilespmem:s10], [sflag:$0x1] =	stream.indirect_vreg.gather [hbm4b:s5+s3], $0x80, v3, vm0, $0xb8;
	[tilespmem:$0x18080] =	vst v63  }
0x52: {  	v3 =	vld [tilespmem:$0x20];
	_ =	sdelay $0x4  }
0x53: {  	v58 =	vshrl.u32 v3, $0x3  }
0x54: {  	v4 =	vmul.u32 $0x30, v58  }
0x55: {  	v3 =	vand.u32 $0x7, v3  }
0x56: {  	v3 =	vor.u32 v3, v4  }
0x57: {  	v4 =	vperm.xlane v3, v0;
	_ =	sdelay $0x1  }
0x58: {  	v4 =	vadd.s32 v1, v4;
	_ =	sdelay $0x3  }
0x59: {  	s0 =	rddreg [dreg:$0x11];
	v3 =	vperm.xlane v3, v2  }
0x5a: {  	[tilespmem:s0], [sflag:$0x1] =	stream.indirect_vreg.gather [hbm4b:s2+s3], $0x80, v4, vm0, $0xb8;
	[tilespmem:$0x18080] =	vst v63  }
0x5b: {  	s10 =	rddreg [dreg:$0x12];
	v3 =	vadd.s32 v1, v3  }
0x5c: {  	[tilespmem:s10], [sflag:$0x1] =	stream.indirect_vreg.gather [hbm4b:s4+s3], $0x80, v4, vm0, $0xb8;
	[tilespmem:$0x18080] =	vst v63  }
0x5d: {  	s0 =	rddreg [dreg:$0x13]  }
0x5e: {  	[tilespmem:s0], [sflag:$0x1] =	stream.indirect_vreg.gather [hbm4b:s5+s3], $0x80, v4, vm0, $0xb8;
	[tilespmem:$0x18080] =	vst v63  }
0x5f: {  	s10 =	rddreg [dreg:$0x14]  }
0x60: {  	[tilespmem:s10], [sflag:$0x1] =	stream.indirect_vreg.gather [hbm4b:s2+s3], $0x80, v3, vm0, $0xb8;
	[tilespmem:$0x18080] =	vst v63  }
0x61: {  	s0 =	rddreg [dreg:$0x15]  }
0x62: {  	[tilespmem:s0], [sflag:$0x1] =	stream.indirect_vreg.gather [hbm4b:s4+s3], $0x80, v3, vm0, $0xb8;
	[tilespmem:$0x18080] =	vst v63  }
0x63: {  	s10 =	rddreg [dreg:$0x16]  }
0x64: {  	[tilespmem:s10], [sflag:$0x1] =	stream.indirect_vreg.gather [hbm4b:s5+s3], $0x80, v3, vm0, $0xb8;
	[tilespmem:$0x18080] =	vst v63  }
0x65: {  	v3 =	vld [tilespmem:$0x30];
	_ =	sdelay $0x4  }
0x66: {  	v59 =	vshrl.u32 v3, $0x3  }
0x67: {  	v4 =	vmul.u32 $0x30, v59  }
0x68: {  	v3 =	vand.u32 $0x7, v3  }
0x69: {  	v3 =	vor.u32 v3, v4  }
0x6a: {  	v4 =	vperm.xlane v3, v0;
	_ =	sdelay $0x1  }
0x6b: {  	v4 =	vadd.s32 v1, v4;
	_ =	sdelay $0x3  }
0x6c: {  	s0 =	rddreg [dreg:$0x17];
	v3 =	vperm.xlane v3, v2  }
0x6d: {  	[tilespmem:s0], [sflag:$0x1] =	stream.indirect_vreg.gather [hbm4b:s2+s3], $0x80, v4, vm0, $0xb8;
	[tilespmem:$0x18080] =	vst v63  }
0x6e: {  	s10 =	rddreg [dreg:$0x18];
	v3 =	vadd.s32 v1, v3  }
0x6f: {  	[tilespmem:s10], [sflag:$0x1] =	stream.indirect_vreg.gather [hbm4b:s4+s3], $0x80, v4, vm0, $0xb8;
	[tilespmem:$0x18080] =	vst v63  }
0x70: {  	s0 =	rddreg [dreg:$0x19]  }
0x71: {  	[tilespmem:s0], [sflag:$0x1] =	stream.indirect_vreg.gather [hbm4b:s5+s3], $0x80, v4, vm0, $0xb8;
	[tilespmem:$0x18080] =	vst v63  }
0x72: {  	s10 =	rddreg [dreg:$0x1a]  }
0x73: {  	[tilespmem:s10], [sflag:$0x1] =	stream.indirect_vreg.gather [hbm4b:s2+s3], $0x80, v3, vm0, $0xb8;
	[tilespmem:$0x18080] =	vst v63  }
0x74: {  	s0 =	rddreg [dreg:$0x1b]  }
0x75: {  	[tilespmem:s0], [sflag:$0x1] =	stream.indirect_vreg.gather [hbm4b:s4+s3], $0x80, v3, vm0, $0xb8;
	[tilespmem:$0x18080] =	vst v63  }
0x76: {  	s10 =	rddreg [dreg:$0x1c]  }
0x77: {  	[tilespmem:s10], [sflag:$0x1] =	stream.indirect_vreg.gather [hbm4b:s5+s3], $0x80, v3, vm0, $0xb8;
	[tilespmem:$0x18080] =	vst v63  }
0x78: {  	v3 =	vld [tilespmem:$0x40];
	_ =	sdelay $0x4  }
0x79: {  	v60 =	vshrl.u32 v3, $0x3  }
0x7a: {  	v4 =	vmul.u32 $0x30, v60  }
0x7b: {  	v3 =	vand.u32 $0x7, v3  }
0x7c: {  	v3 =	vor.u32 v3, v4  }
0x7d: {  	v4 =	vperm.xlane v3, v0;
	_ =	sdelay $0x1  }
0x7e: {  	v4 =	vadd.s32 v1, v4;
	_ =	sdelay $0x3  }
0x7f: {  	v3 =	vperm.xlane v3, v2  }
0x80: {  	[tilespmem:s9], [sflag:$0x2] =	stream.indirect_vreg.gather [hbm4b:s2+s3], $0x80, v4, vm0, $0xb8;
	[tilespmem:$0x18080] =	vst v63  }
0x81: {  	s0 =	rddreg [dreg:$0x1d];
	v3 =	vadd.s32 v1, v3  }
0x82: {  	[tilespmem:s0], [sflag:$0x2] =	stream.indirect_vreg.gather [hbm4b:s4+s3], $0x80, v4, vm0, $0xb8;
	[tilespmem:$0x18080] =	vst v63  }
0x83: {  	s10 =	rddreg [dreg:$0x1e]  }
0x84: {  	[tilespmem:s10], [sflag:$0x2] =	stream.indirect_vreg.gather [hbm4b:s5+s3], $0x80, v4, vm0, $0xb8;
	[tilespmem:$0x18080] =	vst v63  }
0x85: {  	s0 =	rddreg [dreg:$0x1f]  }
0x86: {  	[tilespmem:s0], [sflag:$0x2] =	stream.indirect_vreg.gather [hbm4b:s2+s3], $0x80, v3, vm0, $0xb8;
	[tilespmem:$0x18080] =	vst v63  }
0x87: {  	s10 =	simm.s32 $0xE080  }
0x88: {  	[tilespmem:s10], [sflag:$0x2] =	stream.indirect_vreg.gather [hbm4b:s4+s3], $0x80, v3, vm0, $0xb8;
	[tilespmem:$0x18080] =	vst v63  }
0x89: {  	_ = 	snop  }
0x8a: {  	[tilespmem:s11], [sflag:$0x2] =	stream.indirect_vreg.gather [hbm4b:s5+s3], $0x80, v3, vm0, $0xb8;
	[tilespmem:$0x18080] =	vst v63  }
0x8b: {  	v3 =	vld [tilespmem:$0x50];
	_ =	sdelay $0x4  }
0x8c: {  	v61 =	vshrl.u32 v3, $0x3  }
0x8d: {  	v4 =	vmul.u32 $0x30, v61  }
0x8e: {  	v3 =	vand.u32 $0x7, v3  }
0x8f: {  	v3 =	vor.u32 v3, v4  }
0x90: {  	v4 =	vperm.xlane v3, v0;
	_ =	sdelay $0x1  }
0x91: {  	v4 =	vadd.s32 v1, v4;
	_ =	sdelay $0x3  }
0x92: {  	v3 =	vperm.xlane v3, v2  }
0x93: {  	[tilespmem:s12], [sflag:$0x2] =	stream.indirect_vreg.gather [hbm4b:s2+s3], $0x80, v4, vm0, $0xb8;
	[tilespmem:$0x18080] =	vst v63  }
0x94: {  	v3 =	vadd.s32 v1, v3  }
0x95: {  	[tilespmem:s13], [sflag:$0x2] =	stream.indirect_vreg.gather [hbm4b:s4+s3], $0x80, v4, vm0, $0xb8;
	[tilespmem:$0x18080] =	vst v63  }
0x96: {  	_ = 	snop  }
0x97: {  	[tilespmem:s14], [sflag:$0x2] =	stream.indirect_vreg.gather [hbm4b:s5+s3], $0x80, v4, vm0, $0xb8;
	[tilespmem:$0x18080] =	vst v63  }
0x98: {  	_ = 	snop  }
0x99: {  	[tilespmem:s15], [sflag:$0x2] =	stream.indirect_vreg.gather [hbm4b:s2+s3], $0x80, v3, vm0, $0xb8;
	[tilespmem:$0x18080] =	vst v63  }
0x9a: {  	_ = 	snop  }
0x9b: {  	[tilespmem:s16], [sflag:$0x2] =	stream.indirect_vreg.gather [hbm4b:s4+s3], $0x80, v3, vm0, $0xb8;
	[tilespmem:$0x18080] =	vst v63  }
0x9c: {  	_ = 	snop  }
0x9d: {  	[tilespmem:s17], [sflag:$0x2] =	stream.indirect_vreg.gather [hbm4b:s5+s3], $0x80, v3, vm0, $0xb8;
	[tilespmem:$0x18080] =	vst v63  }
0x9e: {  	v3 =	vld [tilespmem:$0x60];
	_ =	sdelay $0x4  }
0x9f: {  	v62 =	vshrl.u32 v3, $0x3  }
0xa0: {  	v4 =	vmul.u32 $0x30, v62  }
0xa1: {  	v3 =	vand.u32 $0x7, v3  }
0xa2: {  	v3 =	vor.u32 v3, v4  }
0xa3: {  	v4 =	vperm.xlane v3, v0;
	_ =	sdelay $0x1  }
0xa4: {  	v4 =	vadd.s32 v1, v4;
	_ =	sdelay $0x3  }
0xa5: {  	v3 =	vperm.xlane v3, v2  }
0xa6: {  	[tilespmem:s18], [sflag:$0x2] =	stream.indirect_vreg.gather [hbm4b:s2+s3], $0x80, v4, vm0, $0xb8;
	[tilespmem:$0x18080] =	vst v63  }
0xa7: {  	v3 =	vadd.s32 v1, v3  }
0xa8: {  	[tilespmem:s19], [sflag:$0x2] =	stream.indirect_vreg.gather [hbm4b:s4+s3], $0x80, v4, vm0, $0xb8;
	[tilespmem:$0x18080] =	vst v63  }
0xa9: {  	_ = 	snop  }
0xaa: {  	[tilespmem:s20], [sflag:$0x2] =	stream.indirect_vreg.gather [hbm4b:s5+s3], $0x80, v4, vm0, $0xb8;
	[tilespmem:$0x18080] =	vst v63  }
0xab: {  	_ = 	snop  }
0xac: {  	[tilespmem:s21], [sflag:$0x2] =	stream.indirect_vreg.gather [hbm4b:s2+s3], $0x80, v3, vm0, $0xb8;
	[tilespmem:$0x18080] =	vst v63  }
0xad: {  	_ = 	snop  }
0xae: {  	[tilespmem:s22], [sflag:$0x2] =	stream.indirect_vreg.gather [hbm4b:s4+s3], $0x80, v3, vm0, $0xb8;
	[tilespmem:$0x18080] =	vst v63  }
0xaf: {  	_ = 	snop  }
0xb0: {  	[tilespmem:s23], [sflag:$0x2] =	stream.indirect_vreg.gather [hbm4b:s5+s3], $0x80, v3, vm0, $0xb8;
	[tilespmem:$0x18080] =	vst v63  }
0xb1: {  	v3 =	vld [tilespmem:$0x70];
	_ =	sdelay $0x4  }
0xb2: {  	v63 =	vshrl.u32 v3, $0x3  }
0xb3: {  	v4 =	vmul.u32 $0x30, v63  }
0xb4: {  	v3 =	vand.u32 $0x7, v3  }
0xb5: {  	v3 =	vor.u32 v3, v4  }
0xb6: {  	v4 =	vperm.xlane v3, v0;
	_ =	sdelay $0x1  }
0xb7: {  	v4 =	vadd.s32 v1, v4;
	_ =	sdelay $0x3  }
0xb8: {  	v3 =	vperm.xlane v3, v2  }
0xb9: {  	[tilespmem:s24], [sflag:$0x2] =	stream.indirect_vreg.gather [hbm4b:s2+s3], $0x80, v4, vm0, $0xb8;
	[tilespmem:$0x18080] =	vst v63  }
0xba: {  	v3 =	vadd.s32 v1, v3  }
0xbb: {  	[tilespmem:s25], [sflag:$0x2] =	stream.indirect_vreg.gather [hbm4b:s4+s3], $0x80, v4, vm0, $0xb8;
	[tilespmem:$0x18080] =	vst v63  }
0xbc: {  	_ = 	snop  }
0xbd: {  	[tilespmem:s26], [sflag:$0x2] =	stream.indirect_vreg.gather [hbm4b:s5+s3], $0x80, v4, vm0, $0xb8;
	[tilespmem:$0x18080] =	vst v63  }
0xbe: {  	_ = 	snop  }
0xbf: {  	[tilespmem:s28], [sflag:$0x2] =	stream.indirect_vreg.gather [hbm4b:s2+s3], $0x80, v3, vm0, $0xb8;
	[tilespmem:$0x18080] =	vst v63  }
0xc0: {  	_ = 	snop  }
0xc1: {  	[tilespmem:s29], [sflag:$0x2] =	stream.indirect_vreg.gather [hbm4b:s4+s3], $0x80, v3, vm0, $0xb8;
	[tilespmem:$0x18080] =	vst v63  }
0xc2: {  	_ = 	snop  }
0xc3: {  	[tilespmem:s30], [sflag:$0x2] =	stream.indirect_vreg.gather [hbm4b:s5+s3], $0x80, v3, vm0, $0xb8;
	[tilespmem:$0x18080] =	vst v63  }
0xc4: {  	_ =	swait.ge [sflag:s31], $0xC000  }
0xc5: {  	[sflag:s31] =	ssyncset.done $0x0  }
0xc6: {  	s10 =	rddreg [dreg:$0x4];
	[sflag:s31] =	ssyncadd.s32 $0xFFFF4000  }
0xc7: {  	[hbm4b:s10+s3] =	stream.linear.scatter [tilespmem:s8], [sflag:$0x3], $0xC000, $0x38;
	[tilespmem:$0x18080] =	vst v63  }
0xc8: {  	_ =	swait.ge [sflag:s7], $0xC000  }
0xc9: {  	[sflag:s7] =	ssyncset.done $0x0  }
0xca: {  	[sflag:s7] =	ssyncadd.s32 $0xFFFF4000  }
0xcb: {  	_ =	swait.ge [sflag:s1], $0xC000  }
0xcc: {  	p0 =	sne.s32 s6, $0x1;
	[sflag:s1] =	ssyncset.done $0x0  }
.Ltmp0:
0xcd: {  	s10 =	rddreg [dreg:$0x5];
	[sflag:s1] =	ssyncadd.s32 $0xFFFF4000;
	(pc) =	sbr.rel @p0 .LBB2_1-.Ltmp0, $4  }
0xce: {  	[hbm4b:s10+s3] =	stream.linear.scatter [tilespmem:s9], [sflag:$0x3], $0xC000, $0x38;
	[tilespmem:$0x18080] =	vst v63  }
0xcf: {  	_ =	swait.ge [sflag:s7], $0xC000  }
0xd0: {  	[sflag:s7] =	ssyncset.done $0x0  }
0xd1: {  	s6 =	sadd.s32 $0xFFFFFFFF, s6;
	[sflag:s7] =	ssyncadd.s32 $0xFFFF4000  }
0xd2: {  	_ =	sfence.sel $0x180000  }
0xd3: {  	[bflag:$0x0] =	sbarrier.arrive $0xFFFF  }
0xd4: {  	_ =	strace $0x9000004A  }
0xd5: {  	s0 =	stileid.u32;
	[bflag:$0x2] =	sbarrier.arrive $0xFFFF  }
0xd6: {  	p0 =	sne.s32 s0, $0x0;
	s0 =	rddreg [dreg:$0x2]  }
0xd7: {  	s0 =	sadd.s32 @!p0 $0x100000, s0  }
0xd8: {  	[sflag:s0] =	ssyncadd.tile.s32 @!p0 $0x1;
	_ =	shalt  }
.Lfunc_end2:
_tile_overlayer_lowered:
.L_overlay_start_2:
0xd9: {  	(tag) =	ssettag $0x2  }
0xda: {  	s0 =	rddreg [dreg:$0x0];
	s2 =	stileid.u32  }
0xdb: {  	s1 =	rddreg [dreg:$0x1];
	p0 =	sne.s32 s2, $0x0  }
0xdc: {  	s3 =	rddreg [dreg:$0x2];
	[bflag:$0x3] =	sbarrier.arrive $0xFFFF;
	s2 =	simm.s32 @!p0 $0x1C03  }
0xdd: {  	[timem:s3], [sflag:s2] =	dma.local @!p0 [hbm:s0], s1  }
0xde: {  	s0 =	simm.s32 @!p0 $0x3  }
0xdf: {  	_ =	swait.ge @!p0 [sflag:s0], s1  }
0xe0: {  	s1 =	ssub.s32 @!p0 $0x0, s1;
	[sflag:s0] =	ssyncset.done @!p0 $0x0  }
0xe1: {  	[sflag:s0] =	ssyncadd.s32 @!p0 s1  }
0xe2: {  	[bflag:$0x3] =	sbarrier.arrive $0xFFFF  }
0xe3: {  	_ =	shalt  }

// kernel: kernel.16.cloned.1.call-start
scs
__scs_entry_jumppad:
0x0: {  	(pc) =	sbr.rel $0x88, $3  }
0x1: {  	(tag) =	ssettag $0x0;
	lr =	simm.s32 $0x1  }
0x2: {  	[smem:$0x3F9C] =	sst lr;
	_ =	strace $0xD0000000  }
0x3: {  	_ = 	snop  }
0x4: {  	_ = 	snop  }
0x5: {  	_ = 	snop  }
0x6: {  	_ = 	snop  }
0x7: {  	_ = 	snop  }
__scs_overlays_trampoline_lowered:
0x8: {  	[smem:$0x3FAB] =	sst s0  }
0x9: {  	[smem:$0x3FAC] =	sst s1  }
0xa: {  	[smem:$0x3FAD] =	sst s2  }
0xb: {  	[smem:$0x3FAE] =	sst s3  }
0xc: {  	[smem:$0x3FAF] =	sst s4  }
0xd: {  	[smem:$0x3FB0] =	sst s5  }
0xe: {  	[smem:$0x3FB1] =	sst s6  }
0xf: {  	[smem:$0x3FB2] =	sst s7  }
0x10: {  	[smem:$0x3FB3] =	sst s8  }
0x11: {  	[smem:$0x3FB4] =	sst s9;
	s0 =	simm.s32 @!p0 $0x0  }
0x12: {  	s1 =	sld [smem:$0x3F9A];
	s0 =	simm.s32 @p0 $0x1  }
0x13: {  	[smem:$0x3FB5] =	sst s0;
	s0 =	simm.s32 @!p1 $0x0  }
0x14: {  	s2 =	sld [smem:$0x3F99];
	s0 =	simm.s32 @p1 $0x1  }
0x15: {  	[smem:$0x3FB6] =	sst s0;
	s0 =	simm.s32 @!p2 $0x0  }
0x16: {  	s3 =	sld [smem:$0x3FDB];
	s0 =	simm.s32 @p2 $0x1  }
0x17: {  	s4 =	simm.s32 $0x1BF5;
	[smem:$0x3FB8] =	sst s0  }
0x18: {  	s0 =	sld [smem:$0x3F9B];
	_ =	swait.ge [sflag:s4], $0x0  }
0x19: {  	s7 =	sld [smem:$0x3F9C]  }
0x1a: {  	s8 =	sadd.s32 $0xFFFFE003, lr  }
0x1b: {  	s9 =	sadd.s32 $0xFFFFFEF7, lr;
	s5 =	simm.s32 $0xFFFFFFFF;
	p2 =	slt.u32 s8, $0xFFFFF086  }
0x1c: {  	p1 =	slt.u32 s9, $0xF7A;
	s5 =	simm.s32 @!p2 $0x0  }
0x1d: {  	s5 =	simm.s32 @p1 $0x1;
	p0 =	seq.s32 s7, s2  }
0x1e: {  	s7 =	smul.u32 @!p0 $0xF7A, s2;
	p2 =	seq.s32 @!p0 s5, $0x0  }
0x1f: {  	s9 =	smul.u32 $0xF7A, s1;
	s8 =	simm.s32 @!p0 $0x1BF5;
	p2 =	por !p2, p0  }
0x20: {  	[sflag:s8] =	ssyncset.s32 @!p0 $0xFFFFF086;
	s6 =	sadd.s32 @!p0 s3, s7;
	s7 =	simm.s32 @!p0 $0x108  }
0x21: {  	s3 =	sadd.s32 s3, s9;
	s6 =	sadd.s32 @!p0 $0x88, s6;
	s7 =	simm.s32 @p2 $0x1082  }
0x22: {  	[simem:s7], [sflag:s8] =	dma.local @!p0 [hbm:s6], $0xF7A  }
0x23: {  	s9 =	sor.u32 $0xD0000000, s2;
	s6 =	simm.s32 $0x108;
	_ =	swait.ge @!p0 [sflag:s8], $0x0  }
0x24: {  	s3 =	sadd.s32 $0x88, s3;
	s6 =	simm.s32 @!p1 $0x1082;
	[sflag:s4] =	ssyncset.s32 $0xFFFFF086  }
0x25: {  	[simem:s6], [sflag:s4] =	dma.local [hbm:s3], $0xF7A  }
0x26: {  	[smem:$0x3F9C] =	sst s1;
	(tag) =	ssettag s2;
	_ =	strace s9  }
0x27: {  	s1 =	sld [smem:$0x3FAC]  }
0x28: {  	s2 =	sld [smem:$0x3FAD]  }
0x29: {  	s4 =	sld [smem:$0x3FAF]  }
0x2a: {  	p0 =	seq.s32 s5, $0x0;
	s5 =	sld [smem:$0x3FB0]  }
0x2b: {  	s6 =	sld [smem:$0x3FB1]  }
0x2c: {  	s7 =	sld [smem:$0x3FB2]  }
0x2d: {  	s3 =	simm.s32 $0x108;
	s8 =	sld [smem:$0x3FB3]  }
0x2e: {  	s3 =	simm.s32 @!p0 $0x1082;
	s9 =	sld [smem:$0x3FB4]  }
0x2f: {  	lr =	sadd.s32 s0, s3;
	s0 =	sld [smem:$0x3FAB]  }
0x30: {  	s3 =	sld [smem:$0x3FAE]  }
0x31: {  	[smem:$0x3FB7] =	sst s10  }
0x32: {  	s10 =	sld [smem:$0x3FB5];
	_ =	sdelay $0x3  }
0x33: {  	p0 =	seq.s32 s10, $0x1;
	s10 =	sld [smem:$0x3FB7];
	_ =	sdelay $0x3  }
0x34: {  	[smem:$0x3FB7] =	sst s10  }
0x35: {  	s10 =	sld [smem:$0x3FB6];
	_ =	sdelay $0x3  }
0x36: {  	p1 =	seq.s32 s10, $0x1;
	s10 =	sld [smem:$0x3FB7];
	_ =	sdelay $0x3  }
0x37: {  	[smem:$0x3FB7] =	sst s10  }
0x38: {  	s10 =	sld [smem:$0x3FB8]  }
0x39: {  	_ = 	snop;
	(pc) =	sbr.ind lr, $3  }
0x3a: {  	_ = 	snop  }
0x3b: {  	_ = 	snop  }
0x3c: {  	p2 =	seq.s32 s10, $0x1;
	s10 =	sld [smem:$0x3FB7]  }
0x3d: {  	_ =	shalt  }
0x3e: {  	_ =	shalt  }
0x3f: {  	_ =	shalt  }
0x40: {  	_ =	shalt  }
0x41: {  	_ =	shalt  }
0x42: {  	_ =	shalt  }
0x43: {  	_ =	shalt  }
0x44: {  	_ =	shalt  }
0x45: {  	_ =	shalt  }
0x46: {  	_ =	shalt  }
0x47: {  	_ =	shalt  }
0x48: {  	_ =	shalt  }
0x49: {  	_ =	shalt  }
0x4a: {  	_ =	shalt  }
0x4b: {  	_ =	shalt  }
0x4c: {  	_ =	shalt  }
0x4d: {  	_ =	shalt  }
0x4e: {  	_ =	shalt  }
0x4f: {  	_ =	shalt  }
0x50: {  	_ =	shalt  }
0x51: {  	_ =	shalt  }
0x52: {  	_ =	shalt  }
0x53: {  	_ =	shalt  }
0x54: {  	_ =	shalt  }
0x55: {  	_ =	shalt  }
0x56: {  	_ =	shalt  }
0x57: {  	_ =	shalt  }
0x58: {  	_ =	shalt  }
0x59: {  	_ =	shalt  }
0x5a: {  	_ =	shalt  }
0x5b: {  	_ =	shalt  }
0x5c: {  	_ =	shalt  }
0x5d: {  	_ =	shalt  }
0x5e: {  	_ =	shalt  }
0x5f: {  	_ =	shalt  }
0x60: {  	_ =	shalt  }
0x61: {  	_ =	shalt  }
0x62: {  	_ =	shalt  }
0x63: {  	_ =	shalt  }
0x64: {  	_ =	shalt  }
0x65: {  	_ =	shalt  }
0x66: {  	_ =	shalt  }
0x67: {  	_ =	shalt  }
0x68: {  	_ =	shalt  }
0x69: {  	_ =	shalt  }
0x6a: {  	_ =	shalt  }
0x6b: {  	_ =	shalt  }
0x6c: {  	_ =	shalt  }
0x6d: {  	_ =	shalt  }
0x6e: {  	_ =	shalt  }
0x6f: {  	_ =	shalt  }
0x70: {  	_ =	shalt  }
0x71: {  	_ =	shalt  }
0x72: {  	_ =	shalt  }
0x73: {  	_ =	shalt  }
0x74: {  	_ =	shalt  }
0x75: {  	_ =	shalt  }
0x76: {  	_ =	shalt  }
0x77: {  	_ =	shalt  }
0x78: {  	_ =	shalt  }
0x79: {  	_ =	shalt  }
0x7a: {  	_ =	shalt  }
0x7b: {  	_ =	shalt  }
0x7c: {  	_ =	shalt  }
0x7d: {  	_ =	shalt  }
0x7e: {  	_ =	shalt  }
0x7f: {  	_ =	shalt  }
0x80: {  	_ =	shalt  }
0x81: {  	_ =	shalt  }
0x82: {  	_ =	shalt  }
0x83: {  	_ =	shalt  }
0x84: {  	_ =	shalt  }
0x85: {  	_ =	shalt  }
0x86: {  	_ =	shalt  }
0x87: {  	_ =	shalt  }
.Lfunc_end0:
.L_simem_size_0:
called_computation.2_lowered:
.L_overlay_start_0:
0x88: {  	s2 =	sld [smem:$0x3FD9]  }
0x89: {  	s3 =	sld [smem:$0x3FFE];
	_ =	sdelay $0x1  }
0x8a: {  	s1 =	srdreg.scid  }
0x8b: {  	s0 =	sand.u32 $0x1, s1  }
0x8c: {  	s17 =	sshll.u32 s0, $0xA;
	s2 =	sadd.s32 s3, s2  }
0x8d: {  	s2 =	sadd.s32 s2, s17  }
0x8e: {  	[smem:$0x3FC3] =	sst s2  }
0x8f: {  	_ = 	snop  }
0x90: {  	s18 =	sld [smem:$0x3FC8];
	(tm) =	ssettm $0x1  }
0x91: {  	s19 =	sld [smem:$0x3FFB];
	_ =	sdelay $0x3  }
0x92: {  	_ =	strace s19  }
0x93: {  	s2 =	sld [smem:$0x3FFC];
	_ =	sdelay $0x3  }
0x94: {  	_ =	strace s2  }
0x95: {  	s2 =	sld [smem:$0x3FFD];
	_ =	sdelay $0x3  }
0x96: {  	_ =	strace s2  }
0x97: {  	_ =	strace $0x8FFFFFFF  }
0x98: {  	s20 =	sld [smem:$0x3FDB];
	_ =	sdelay $0x1  }
0x99: {  	s4 =	simm.s32 $_scs_section_size  }
0x9a: {  	s5 =	simm.s32 $_size__tile_overlayer_lowered;
	s6 =	simm.s32 $_tile_overlayer_lowered  }
0x9b: {  	s7 =	simm.s32 $0x1BFF;
	s21 =	sshll.u32 s6, $0x1;
	s4 =	sadd.s32 s4, s20  }
0x9c: {  	s22 =	simm.s32 $0x0;
	s5 =	sshll.u32 s5, $0x1;
	s6 =	sadd.s32 s21, s4  }
0x9d: {  	[timem:s22], [sflag:s7] =	dma.local [hbm:s6], s5  }
0x9e: {  	_ =	swait.ge [sflag:s7], s5  }
0x9f: {  	s5 =	ssub.s32 $0x0, s5;
	[sflag:s7] =	ssyncset.done $0x0  }
0xa0: {  	[sflag:s7] =	ssyncadd.s32 s5;
	_ =	sdelay $0x1  }
0xa1: {  	s23 =	simm.s32 $0x1B8B  }
0xa2: {  	_ =	swait.ge [sflag:s23], $0x1  }
0xa3: {  	[sflag:s23] =	ssyncset.done $0x0  }
0xa4: {  	[sflag:s23] =	ssyncadd.s32 $0xFFFFFFFF  }
0xa5: {  	s5 =	sld [smem:$0x0]  }
0xa6: {  	s6 =	sand.u32 $0xFFFFFFFE, s1  }
0xa7: {  	p0 =	sne.s32 s1, s6  }
0xa8: {  	s6 =	sshll.u32 @p0 s6, $0xE  }
0xa9: {  	s6 =	sadd.s32 @p0 $0x11B8D, s6;
	s7 =	sshll.u32 @p0 s5, $0x11  }
0xaa: {  	s6 =	sor.u32 @p0 s7, s6  }
0xab: {  	[sflag:s6] =	ssyncadd.remote.s32 @p0 $0x1;
	_ =	sdelay $0x1  }
0xac: {  	s6 =	simm.s32 @p0 $0x1B8D  }
0xad: {  	_ =	swait.eq @p0 [sflag:s6], $0x1  }
0xae: {  	[sflag:s6] =	ssyncadd.s32 @p0 $0xFFFFFFFF  }
0xaf: {  	s7 =	sshll.u32 @!p0 s1, $0xE  }
0xb0: {  	s7 =	sor.u32 @!p0 $0x4000, s7;
	s6 =	simm.s32 @!p0 $0x1B8D  }
0xb1: {  	s5 =	sshll.u32 @!p0 s5, $0x11;
	s7 =	sadd.s32 @!p0 $0x11B8D, s7;
	_ =	swait.eq @!p0 [sflag:s6], $0x1  }
0xb2: {  	s5 =	sor.u32 @!p0 s5, s7;
	[sflag:s6] =	ssyncadd.s32 @!p0 $0xFFFFFFFF  }
0xb3: {  	s25 =	simm.s32 $0x1B8E;
	s24 =	sld [smem:$0x3FFE];
	[sflag:s5] =	ssyncadd.remote.s32 @!p0 $0x1  }
0xb4: {  	s26 =	simm.s32 $execute0_lowered;
	[smem:$0x3FD2] =	sst s25  }
0xb5: {  	s6 =	sshll.u32 s26, $0x1;
	_ =	strace $0x8000004C;
	[dreg:$0x1] =	wrdreg $0xFFFFFFFF  }
0xb6: {  	s28 =	simm.s32 $_size_execute0_lowered;
	s4 =	sadd.s32 s4, s6;
	[dreg:$0x0] =	wrdreg $0x0  }
0xb7: {  	s6 =	sshll.u32 s28, $0x1;
	[dreg:$0x2] =	wrdreg s4  }
0xb8: {  	[dreg:$0x3] =	wrdreg s6  }
0xb9: {  	[dreg:$0x4] =	wrdreg $0xC0  }
0xba: {  	_ =	task [dreg:s22], $0x5FFFF  }
0xbb: {  	[dreg:$0x1] =	wrdreg $0xFFFFFFFF  }
0xbc: {  	[dreg:$0x0] =	wrdreg $0x60  }
0xbd: {  	[dreg:$0x2] =	wrdreg s18  }
0xbe: {  	[dreg:$0x3] =	wrdreg s24  }
0xbf: {  	[dreg:$0x4] =	wrdreg $0xB  }
0xc0: {  	_ =	task.clear_ibuf [dreg:s22], $0x5FFFF;
	_ =	strace $0x9000004C  }
0xc1: {  	s29 =	simm.s32 $0xB;
	_ =	strace $0x8000004E  }
0xc2: {  	_ =	swait.ge [sflag:s29], $0x1  }
0xc3: {  	[sflag:s29] =	ssyncadd.s32 $0xFFFFFFFF  }
0xc4: {  	_ =	strace $0x9000004E  }
0xc5: {  	_ =	sfence  }
0xc6: {  	s30 =	sld [smem:$0x0];
	_ =	sdelay $0x2  }
0xc7: {  	s31 =	sshll.u32 s1, $0xD;
	s1 =	sshrl.u32 s1, $0x2  }
0xc8: {  	s4 =	sand.u32 $0x4000, s31;
	s1 =	sadd.s32 s1, s30  }
0xc9: {  	s0 =	sor.u32 s4, s0;
	s1 =	sshll.u32 s1, $0x11  }
0xca: {  	s0 =	sor.u32 s1, s0  }
0xcb: {  	s0 =	sadd.s32 $0x8F2B, s0  }
0xcc: {  	[sflag:s0] =	ssyncadd.remote.s32 $0x1  }
0xcd: {  	_ =	sfence.sel $0xFFFF  }
0xce: {  	[dreg:$0x0] =	wrdreg $0xFFFFFFFF;
	(pc) =	sbr.abs _section_cstart, $3  }
0xcf: {  	[dreg:$0x1] =	wrdreg $0xFFFFFFFF  }
0xd0: {  	_ =	task.clear_ibuf [dreg:s22], $0x2FFFF;
	_ =	strace $0x9FFFFFFF  }
0xd1: {  	(tm) =	ssettm $0x7FFFFFFF  }
tec
execute0_lowered:
.L_overlay_start_1:
0x0: {  	(tag) =	ssettag $0x1  }
0x1: {  	s1 =	srdreg.scid  }
0x2: {  	s0 =	stileid.u32;
	s1 =	sand.u32 $0x1, s1  }
0x3: {  	s2 =	rddreg [dreg:$0x0];
	s3 =	sshll.u32 s0, $0x8;
	s4 =	sshll.u32 s1, $0x7  }
0x4: {  	s5 =	rddreg [dreg:$0x1];
	s4 =	sor.u32 s4, s3;
	s3 =	simm.s32 $0x0  }
0x5: {  	s23 =	simm.s32 $0x880;
	[smem:$0x7FF] =	sst s3  }
0x6: {  	s24 =	simm.s32 $0x1080;
	_ =	strace $0x8000004D;
	[dreg:$0x6] =	wrdreg s23  }
0x7: {  	s25 =	simm.s32 $0x1880;
	[dreg:$0x7] =	wrdreg s24  }
0x8: {  	s26 =	simm.s32 $0x2080;
	[dreg:$0x8] =	wrdreg s25  }
0x9: {  	s0 =	simm.s32 $0x2880;
	[dreg:$0x9] =	wrdreg s26  }
0xa: {  	s8 =	simm.s32 $0x4880;
	[dreg:$0xa] =	wrdreg s0  }
0xb: {  	s9 =	simm.s32 $0x5080;
	s10 =	simm.s32 $0x5880;
	[dreg:$0xe] =	wrdreg s8  }
0xc: {  	s11 =	simm.s32 $0x6080;
	s12 =	simm.s32 $0x6880;
	[dreg:$0xf] =	wrdreg s9  }
0xd: {  	s13 =	simm.s32 $0x7080;
	s14 =	simm.s32 $0x7880;
	[dreg:$0x10] =	wrdreg s10  }
0xe: {  	s15 =	simm.s32 $0x8080;
	s16 =	simm.s32 $0x8880;
	[dreg:$0x11] =	wrdreg s11  }
0xf: {  	s17 =	simm.s32 $0x9080;
	s18 =	simm.s32 $0x9880;
	[dreg:$0x12] =	wrdreg s12  }
0x10: {  	s20 =	simm.s32 $0xA080;
	s21 =	simm.s32 $0xA880;
	[dreg:$0x13] =	wrdreg s13  }
0x11: {  	s28 =	simm.s32 $0x16880;
	s29 =	simm.s32 $0x17080;
	[dreg:$0x14] =	wrdreg s14  }
0x12: {  	s30 =	simm.s32 $0x17880;
	s1 =	ssub.s32 $0x2, s1;
	[dreg:$0x15] =	wrdreg s15  }
0x13: {  	s31 =	simm.s32 $0x1;
	s19 =	sshrl.u32 s1, $0x1;
	[dreg:$0x16] =	wrdreg s16  }
0x14: {  	s4 =	sshrl.u32 s4, $0x3;
	s1 =	ssub.s32 s1, s19;
	[dreg:$0x17] =	wrdreg s17  }
0x15: {  	s19 =	simm.s32 $0x12880;
	s6 =	smul.u32 $0x1800, s4;
	[dreg:$0x18] =	wrdreg s18  }
0x16: {  	s7 =	sadd.s32 s5, s4;
	s4 =	smul.u32 $0x300, s4;
	[dreg:$0x19] =	wrdreg s20  }
0x17: {  	s5 =	sadd.s32 $0x62600, s5;
	[dreg:$0x1a] =	wrdreg s21;
	s23 =	simm.s32 $0xB880  }
0x18: {  	s24 =	simm.s32 $0xC880;
	s25 =	simm.s32 $0xD080;
	s8 =	simm.s32 $0x80  }
0x19: {  	s26 =	simm.s32 $0xD880;
	s9 =	simm.s32 $0xC080;
	s11 =	simm.s32 $0xE880  }
0x1a: {  	s12 =	simm.s32 $0xF080;
	s13 =	simm.s32 $0xF880;
	s14 =	simm.s32 $0x10080  }
0x1b: {  	s15 =	simm.s32 $0x10880;
	s16 =	simm.s32 $0x11080;
	[dreg:$0x1c] =	wrdreg s23  }
0x1c: {  	s17 =	simm.s32 $0x11880;
	s18 =	simm.s32 $0x12080;
	[dreg:$0x1d] =	wrdreg s24  }
0x1d: {  	s20 =	simm.s32 $0x13080;
	s21 =	simm.s32 $0x13880;
	[dreg:$0x1e] =	wrdreg s25  }
0x1e: {  	s7 =	sadd.s32 $0x2300, s7;
	[dreg:$0x1f] =	wrdreg s26;
	s23 =	simm.s32 $0x14880  }
0x1f: {  	s24 =	simm.s32 $0x15080;
	s25 =	simm.s32 $0x15880;
	s26 =	simm.s32 $0x16080  }
0x20: {  	s6 =	sshrl.u32 s6, $0x3;
	[dreg:$0x3] =	wrdreg s7;
	s4 =	sadd.s32 s5, s4  }
0x21: {  	s7 =	simm.s32 $0x4080;
	s5 =	sadd.s32 s5, s6;
	[dreg:$0x4] =	wrdreg s4  }
0x22: {  	s6 =	simm.s32 $0x3880;
	[dreg:$0xd] =	wrdreg s7;
	s4 =	sadd.s32 $0x100, s2  }
0x23: {  	s7 =	simm.s32 $0x3;
	s22 =	sadd.s32 $0x1800, s5;
	[dreg:$0xc] =	wrdreg s6  }
0x24: {  	v2 =	vlaneseq.u32;
	s5 =	simm.s32 $0x3080;
	s6 =	smax.u32 s1, $0x1;
	[dreg:$0x5] =	wrdreg s22  }
0x25: {  	vm0 =	vmmov $0xffff;
	v1 =	vshrl.u32 v2, $0x3;
	s1 =	simm.s32 $0x2;
	[dreg:$0xb] =	wrdreg s5;
	s22 =	simm.s32 $0xB080  }
0x26: {  	v0 =	vand.u32 $0x7, v2;
	v2 =	vor.u32 $0x8, v2;
	v1 =	vmul.u32 $0x8, v1;
	s5 =	sadd.s32 $0x200, s2;
	[dreg:$0x1b] =	wrdreg s22;
	s22 =	simm.s32 $0x14080  }
.LBB2_1:
0x27: {  	s0 =	rddreg [dreg:$0x3]  }
0x28: {  	[tilespmem:s3], [sflag:$0x3] =	stream.linear.gather [hbm4b:s0+s3], $0x80, $0x38;
	[tilespmem:$0x18080] =	vst v63  }
0x29: {  	_ =	swait.ge [sflag:s7], $0x80  }
0x2a: {  	[sflag:s7] =	ssyncset.done $0x0  }
0x2b: {  	[sflag:s7] =	ssyncadd.s32 $0xFFFFFF80  }
0x2c: {  	v3 =	vld [tilespmem:$0x0];
	_ =	sdelay $0x4  }
0x2d: {  	v4 =	vshrl.u32 v3, $0x3  }
0x2e: {  	v4 =	vmul.u32 $0x30, v4  }
0x2f: {  	v3 =	vand.u32 $0x7, v3  }
0x30: {  	v3 =	vor.u32 v3, v4  }
0x31: {  	v4 =	vperm.xlane v3, v0;
	_ =	sdelay $0x1  }
0x32: {  	v4 =	vadd.s32 v1, v4;
	_ =	sdelay $0x3  }
0x33: {  	v3 =	vperm.xlane v3, v2  }
0x34: {  	[tilespmem:s8], [sflag:$0x1] =	stream.indirect_vreg.gather [hbm4b:s2+s3], $0x80, v4, vm0, $0xb8;
	[tilespmem:$0x18080] =	vst v63  }
0x35: {  	s0 =	rddreg [dreg:$0x6];
	v3 =	vadd.s32 v1, v3  }
0x36: {  	[tilespmem:s0], [sflag:$0x1] =	stream.indirect_vreg.gather [hbm4b:s4+s3], $0x80, v4, vm0, $0xb8;
	[tilespmem:$0x18080] =	vst v63  }
0x37: {  	s10 =	rddreg [dreg:$0x7]  }
0x38: {  	[tilespmem:s10], [sflag:$0x1] =	stream.indirect_vreg.gather [hbm4b:s5+s3], $0x80, v4, vm0, $0xb8;
	[tilespmem:$0x18080] =	vst v63  }
0x39: {  	s0 =	rddreg [dreg:$0x8]  }
0x3a: {  	[tilespmem:s0], [sflag:$0x1] =	stream.indirect_vreg.gather [hbm4b:s2+s3], $0x80, v3, vm0, $0xb8;
	[tilespmem:$0x18080] =	vst v63  }
0x3b: {  	s10 =	rddreg [dreg:$0x9]  }
0x3c: {  	[tilespmem:s10], [sflag:$0x1] =	stream.indirect_vreg.gather [hbm4b:s4+s3], $0x80, v3, vm0, $0xb8;
	[tilespmem:$0x18080] =	vst v63  }
0x3d: {  	s0 =	rddreg [dreg:$0xa]  }
0x3e: {  	[tilespmem:s0], [sflag:$0x1] =	stream.indirect_vreg.gather [hbm4b:s5+s3], $0x80, v3, vm0, $0xb8;
	[tilespmem:$0x18080] =	vst v63  }
0x3f: {  	v3 =	vld [tilespmem:$0x10];
	_ =	sdelay $0x4  }
0x40: {  	v57 =	vshrl.u32 v3, $0x3  }
0x41: {  	v4 =	vmul.u32 $0x30, v57  }
0x42: {  	v3 =	vand.u32 $0x7, v3  }
0x43: {  	v3 =	vor.u32 v3, v4  }
0x44: {  	v4 =	vperm.xlane v3, v0;
	_ =	sdelay $0x1  }
0x45: {  	v4 =	vadd.s32 v1, v4;
	_ =	sdelay $0x3  }
0x46: {  	s0 =	rddreg [dreg:$0xb];
	v3 =	vperm.xlane v3, v2  }
0x47: {  	[tilespmem:s0], [sflag:$0x1] =	stream.indirect_vreg.gather [hbm4b:s2+s3], $0x80, v4, vm0, $0xb8;
	[tilespmem:$0x18080] =	vst v63  }
0x48: {  	s10 =	rddreg [dreg:$0xc];
	v3 =	vadd.s32 v1, v3  }
0x49: {  	[tilespmem:s10], [sflag:$0x1] =	stream.indirect_vreg.gather [hbm4b:s4+s3], $0x80, v4, vm0, $0xb8;
	[tilespmem:$0x18080] =	vst v63  }
0x4a: {  	s0 =	rddreg [dreg:$0xd]  }
0x4b: {  	[tilespmem:s0], [sflag:$0x1] =	stream.indirect_vreg.gather [hbm4b:s5+s3], $0x80, v4, vm0, $0xb8;
	[tilespmem:$0x18080] =	vst v63  }
0x4c: {  	s10 =	rddreg [dreg:$0xe]  }
0x4d: {  	[tilespmem:s10], [sflag:$0x1] =	stream.indirect_vreg.gather [hbm4b:s2+s3], $0x80, v3, vm0, $0xb8;
	[tilespmem:$0x18080] =	vst v63  }
0x4e: {  	s0 =	rddreg [dreg:$0xf]  }
0x4f: {  	[tilespmem:s0], [sflag:$0x1] =	stream.indirect_vreg.gather [hbm4b:s4+s3], $0x80, v3, vm0, $0xb8;
	[tilespmem:$0x18080] =	vst v63  }
0x50: {  	s10 =	rddreg [dreg:$0x10]  }
0x51: {  	[tilespmem:s10], [sflag:$0x1] =	stream.indirect_vreg.gather [hbm4b:s5+s3], $0x80, v3, vm0, $0xb8;
	[tilespmem:$0x18080] =	vst v63  }
0x52: {  	v3 =	vld [tilespmem:$0x20];
	_ =	sdelay $0x4  }
0x53: {  	v58 =	vshrl.u32 v3, $0x3  }
0x54: {  	v4 =	vmul.u32 $0x30, v58  }
0x55: {  	v3 =	vand.u32 $0x7, v3  }
0x56: {  	v3 =	vor.u32 v3, v4  }
0x57: {  	v4 =	vperm.xlane v3, v0;
	_ =	sdelay $0x1  }
0x58: {  	v4 =	vadd.s32 v1, v4;
	_ =	sdelay $0x3  }
0x59: {  	s0 =	rddreg [dreg:$0x11];
	v3 =	vperm.xlane v3, v2  }
0x5a: {  	[tilespmem:s0], [sflag:$0x1] =	stream.indirect_vreg.gather [hbm4b:s2+s3], $0x80, v4, vm0, $0xb8;
	[tilespmem:$0x18080] =	vst v63  }
0x5b: {  	s10 =	rddreg [dreg:$0x12];
	v3 =	vadd.s32 v1, v3  }
0x5c: {  	[tilespmem:s10], [sflag:$0x1] =	stream.indirect_vreg.gather [hbm4b:s4+s3], $0x80, v4, vm0, $0xb8;
	[tilespmem:$0x18080] =	vst v63  }
0x5d: {  	s0 =	rddreg [dreg:$0x13]  }
0x5e: {  	[tilespmem:s0], [sflag:$0x1] =	stream.indirect_vreg.gather [hbm4b:s5+s3], $0x80, v4, vm0, $0xb8;
	[tilespmem:$0x18080] =	vst v63  }
0x5f: {  	s10 =	rddreg [dreg:$0x14]  }
0x60: {  	[tilespmem:s10], [sflag:$0x1] =	stream.indirect_vreg.gather [hbm4b:s2+s3], $0x80, v3, vm0, $0xb8;
	[tilespmem:$0x18080] =	vst v63  }
0x61: {  	s0 =	rddreg [dreg:$0x15]  }
0x62: {  	[tilespmem:s0], [sflag:$0x1] =	stream.indirect_vreg.gather [hbm4b:s4+s3], $0x80, v3, vm0, $0xb8;
	[tilespmem:$0x18080] =	vst v63  }
0x63: {  	s10 =	rddreg [dreg:$0x16]  }
0x64: {  	[tilespmem:s10], [sflag:$0x1] =	stream.indirect_vreg.gather [hbm4b:s5+s3], $0x80, v3, vm0, $0xb8;
	[tilespmem:$0x18080] =	vst v63  }
0x65: {  	v3 =	vld [tilespmem:$0x30];
	_ =	sdelay $0x4  }
0x66: {  	v59 =	vshrl.u32 v3, $0x3  }
0x67: {  	v4 =	vmul.u32 $0x30, v59  }
0x68: {  	v3 =	vand.u32 $0x7, v3  }
0x69: {  	v3 =	vor.u32 v3, v4  }
0x6a: {  	v4 =	vperm.xlane v3, v0;
	_ =	sdelay $0x1  }
0x6b: {  	v4 =	vadd.s32 v1, v4;
	_ =	sdelay $0x3  }
0x6c: {  	s0 =	rddreg [dreg:$0x17];
	v3 =	vperm.xlane v3, v2  }
0x6d: {  	[tilespmem:s0], [sflag:$0x1] =	stream.indirect_vreg.gather [hbm4b:s2+s3], $0x80, v4, vm0, $0xb8;
	[tilespmem:$0x18080] =	vst v63  }
0x6e: {  	s10 =	rddreg [dreg:$0x18];
	v3 =	vadd.s32 v1, v3  }
0x6f: {  	[tilespmem:s10], [sflag:$0x1] =	stream.indirect_vreg.gather [hbm4b:s4+s3], $0x80, v4, vm0, $0xb8;
	[tilespmem:$0x18080] =	vst v63  }
0x70: {  	s0 =	rddreg [dreg:$0x19]  }
0x71: {  	[tilespmem:s0], [sflag:$0x1] =	stream.indirect_vreg.gather [hbm4b:s5+s3], $0x80, v4, vm0, $0xb8;
	[tilespmem:$0x18080] =	vst v63  }
0x72: {  	s10 =	rddreg [dreg:$0x1a]  }
0x73: {  	[tilespmem:s10], [sflag:$0x1] =	stream.indirect_vreg.gather [hbm4b:s2+s3], $0x80, v3, vm0, $0xb8;
	[tilespmem:$0x18080] =	vst v63  }
0x74: {  	s0 =	rddreg [dreg:$0x1b]  }
0x75: {  	[tilespmem:s0], [sflag:$0x1] =	stream.indirect_vreg.gather [hbm4b:s4+s3], $0x80, v3, vm0, $0xb8;
	[tilespmem:$0x18080] =	vst v63  }
0x76: {  	s10 =	rddreg [dreg:$0x1c]  }
0x77: {  	[tilespmem:s10], [sflag:$0x1] =	stream.indirect_vreg.gather [hbm4b:s5+s3], $0x80, v3, vm0, $0xb8;
	[tilespmem:$0x18080] =	vst v63  }
0x78: {  	v3 =	vld [tilespmem:$0x40];
	_ =	sdelay $0x4  }
0x79: {  	v60 =	vshrl.u32 v3, $0x3  }
0x7a: {  	v4 =	vmul.u32 $0x30, v60  }
0x7b: {  	v3 =	vand.u32 $0x7, v3  }
0x7c: {  	v3 =	vor.u32 v3, v4  }
0x7d: {  	v4 =	vperm.xlane v3, v0;
	_ =	sdelay $0x1  }
0x7e: {  	v4 =	vadd.s32 v1, v4;
	_ =	sdelay $0x3  }
0x7f: {  	v3 =	vperm.xlane v3, v2  }
0x80: {  	[tilespmem:s9], [sflag:$0x2] =	stream.indirect_vreg.gather [hbm4b:s2+s3], $0x80, v4, vm0, $0xb8;
	[tilespmem:$0x18080] =	vst v63  }
0x81: {  	s0 =	rddreg [dreg:$0x1d];
	v3 =	vadd.s32 v1, v3  }
0x82: {  	[tilespmem:s0], [sflag:$0x2] =	stream.indirect_vreg.gather [hbm4b:s4+s3], $0x80, v4, vm0, $0xb8;
	[tilespmem:$0x18080] =	vst v63  }
0x83: {  	s10 =	rddreg [dreg:$0x1e]  }
0x84: {  	[tilespmem:s10], [sflag:$0x2] =	stream.indirect_vreg.gather [hbm4b:s5+s3], $0x80, v4, vm0, $0xb8;
	[tilespmem:$0x18080] =	vst v63  }
0x85: {  	s0 =	rddreg [dreg:$0x1f]  }
0x86: {  	[tilespmem:s0], [sflag:$0x2] =	stream.indirect_vreg.gather [hbm4b:s2+s3], $0x80, v3, vm0, $0xb8;
	[tilespmem:$0x18080] =	vst v63  }
0x87: {  	s10 =	simm.s32 $0xE080  }
0x88: {  	[tilespmem:s10], [sflag:$0x2] =	stream.indirect_vreg.gather [hbm4b:s4+s3], $0x80, v3, vm0, $0xb8;
	[tilespmem:$0x18080] =	vst v63  }
0x89: {  	_ = 	snop  }
0x8a: {  	[tilespmem:s11], [sflag:$0x2] =	stream.indirect_vreg.gather [hbm4b:s5+s3], $0x80, v3, vm0, $0xb8;
	[tilespmem:$0x18080] =	vst v63  }
0x8b: {  	v3 =	vld [tilespmem:$0x50];
	_ =	sdelay $0x4  }
0x8c: {  	v61 =	vshrl.u32 v3, $0x3  }
0x8d: {  	v4 =	vmul.u32 $0x30, v61  }
0x8e: {  	v3 =	vand.u32 $0x7, v3  }
0x8f: {  	v3 =	vor.u32 v3, v4  }
0x90: {  	v4 =	vperm.xlane v3, v0;
	_ =	sdelay $0x1  }
0x91: {  	v4 =	vadd.s32 v1, v4;
	_ =	sdelay $0x3  }
0x92: {  	v3 =	vperm.xlane v3, v2  }
0x93: {  	[tilespmem:s12], [sflag:$0x2] =	stream.indirect_vreg.gather [hbm4b:s2+s3], $0x80, v4, vm0, $0xb8;
	[tilespmem:$0x18080] =	vst v63  }
0x94: {  	v3 =	vadd.s32 v1, v3  }
0x95: {  	[tilespmem:s13], [sflag:$0x2] =	stream.indirect_vreg.gather [hbm4b:s4+s3], $0x80, v4, vm0, $0xb8;
	[tilespmem:$0x18080] =	vst v63  }
0x96: {  	_ = 	snop  }
0x97: {  	[tilespmem:s14], [sflag:$0x2] =	stream.indirect_vreg.gather [hbm4b:s5+s3], $0x80, v4, vm0, $0xb8;
	[tilespmem:$0x18080] =	vst v63  }
0x98: {  	_ = 	snop  }
0x99: {  	[tilespmem:s15], [sflag:$0x2] =	stream.indirect_vreg.gather [hbm4b:s2+s3], $0x80, v3, vm0, $0xb8;
	[tilespmem:$0x18080] =	vst v63  }
0x9a: {  	_ = 	snop  }
0x9b: {  	[tilespmem:s16], [sflag:$0x2] =	stream.indirect_vreg.gather [hbm4b:s4+s3], $0x80, v3, vm0, $0xb8;
	[tilespmem:$0x18080] =	vst v63  }
0x9c: {  	_ = 	snop  }
0x9d: {  	[tilespmem:s17], [sflag:$0x2] =	stream.indirect_vreg.gather [hbm4b:s5+s3], $0x80, v3, vm0, $0xb8;
	[tilespmem:$0x18080] =	vst v63  }
0x9e: {  	v3 =	vld [tilespmem:$0x60];
	_ =	sdelay $0x4  }
0x9f: {  	v62 =	vshrl.u32 v3, $0x3  }
0xa0: {  	v4 =	vmul.u32 $0x30, v62  }
0xa1: {  	v3 =	vand.u32 $0x7, v3  }
0xa2: {  	v3 =	vor.u32 v3, v4  }
0xa3: {  	v4 =	vperm.xlane v3, v0;
	_ =	sdelay $0x1  }
0xa4: {  	v4 =	vadd.s32 v1, v4;
	_ =	sdelay $0x3  }
0xa5: {  	v3 =	vperm.xlane v3, v2  }
0xa6: {  	[tilespmem:s18], [sflag:$0x2] =	stream.indirect_vreg.gather [hbm4b:s2+s3], $0x80, v4, vm0, $0xb8;
	[tilespmem:$0x18080] =	vst v63  }
0xa7: {  	v3 =	vadd.s32 v1, v3  }
0xa8: {  	[tilespmem:s19], [sflag:$0x2] =	stream.indirect_vreg.gather [hbm4b:s4+s3], $0x80, v4, vm0, $0xb8;
	[tilespmem:$0x18080] =	vst v63  }
0xa9: {  	_ = 	snop  }
0xaa: {  	[tilespmem:s20], [sflag:$0x2] =	stream.indirect_vreg.gather [hbm4b:s5+s3], $0x80, v4, vm0, $0xb8;
	[tilespmem:$0x18080] =	vst v63  }
0xab: {  	_ = 	snop  }
0xac: {  	[tilespmem:s21], [sflag:$0x2] =	stream.indirect_vreg.gather [hbm4b:s2+s3], $0x80, v3, vm0, $0xb8;
	[tilespmem:$0x18080] =	vst v63  }
0xad: {  	_ = 	snop  }
0xae: {  	[tilespmem:s22], [sflag:$0x2] =	stream.indirect_vreg.gather [hbm4b:s4+s3], $0x80, v3, vm0, $0xb8;
	[tilespmem:$0x18080] =	vst v63  }
0xaf: {  	_ = 	snop  }
0xb0: {  	[tilespmem:s23], [sflag:$0x2] =	stream.indirect_vreg.gather [hbm4b:s5+s3], $0x80, v3, vm0, $0xb8;
	[tilespmem:$0x18080] =	vst v63  }
0xb1: {  	v3 =	vld [tilespmem:$0x70];
	_ =	sdelay $0x4  }
0xb2: {  	v63 =	vshrl.u32 v3, $0x3  }
0xb3: {  	v4 =	vmul.u32 $0x30, v63  }
0xb4: {  	v3 =	vand.u32 $0x7, v3  }
0xb5: {  	v3 =	vor.u32 v3, v4  }
0xb6: {  	v4 =	vperm.xlane v3, v0;
	_ =	sdelay $0x1  }
0xb7: {  	v4 =	vadd.s32 v1, v4;
	_ =	sdelay $0x3  }
0xb8: {  	v3 =	vperm.xlane v3, v2  }
0xb9: {  	[tilespmem:s24], [sflag:$0x2] =	stream.indirect_vreg.gather [hbm4b:s2+s3], $0x80, v4, vm0, $0xb8;
	[tilespmem:$0x18080] =	vst v63  }
0xba: {  	v3 =	vadd.s32 v1, v3  }
0xbb: {  	[tilespmem:s25], [sflag:$0x2] =	stream.indirect_vreg.gather [hbm4b:s4+s3], $0x80, v4, vm0, $0xb8;
	[tilespmem:$0x18080] =	vst v63  }
0xbc: {  	_ = 	snop  }
0xbd: {  	[tilespmem:s26], [sflag:$0x2] =	stream.indirect_vreg.gather [hbm4b:s5+s3], $0x80, v4, vm0, $0xb8;
	[tilespmem:$0x18080] =	vst v63  }
0xbe: {  	_ = 	snop  }
0xbf: {  	[tilespmem:s28], [sflag:$0x2] =	stream.indirect_vreg.gather [hbm4b:s2+s3], $0x80, v3, vm0, $0xb8;
	[tilespmem:$0x18080] =	vst v63  }
0xc0: {  	_ = 	snop  }
0xc1: {  	[tilespmem:s29], [sflag:$0x2] =	stream.indirect_vreg.gather [hbm4b:s4+s3], $0x80, v3, vm0, $0xb8;
	[tilespmem:$0x18080] =	vst v63  }
0xc2: {  	_ = 	snop  }
0xc3: {  	[tilespmem:s30], [sflag:$0x2] =	stream.indirect_vreg.gather [hbm4b:s5+s3], $0x80, v3, vm0, $0xb8;
	[tilespmem:$0x18080] =	vst v63  }
0xc4: {  	_ =	swait.ge [sflag:s31], $0xC000  }
0xc5: {  	[sflag:s31] =	ssyncset.done $0x0  }
0xc6: {  	s10 =	rddreg [dreg:$0x4];
	[sflag:s31] =	ssyncadd.s32 $0xFFFF4000  }
0xc7: {  	[hbm4b:s10+s3] =	stream.linear.scatter [tilespmem:s8], [sflag:$0x3], $0xC000, $0x38;
	[tilespmem:$0x18080] =	vst v63  }
0xc8: {  	_ =	swait.ge [sflag:s7], $0xC000  }
0xc9: {  	[sflag:s7] =	ssyncset.done $0x0  }
0xca: {  	[sflag:s7] =	ssyncadd.s32 $0xFFFF4000  }
0xcb: {  	_ =	swait.ge [sflag:s1], $0xC000  }
0xcc: {  	p0 =	sne.s32 s6, $0x1;
	[sflag:s1] =	ssyncset.done $0x0  }
.Ltmp0:
0xcd: {  	s10 =	rddreg [dreg:$0x5];
	[sflag:s1] =	ssyncadd.s32 $0xFFFF4000;
	(pc) =	sbr.rel @p0 .LBB2_1-.Ltmp0, $4  }
0xce: {  	[hbm4b:s10+s3] =	stream.linear.scatter [tilespmem:s9], [sflag:$0x3], $0xC000, $0x38;
	[tilespmem:$0x18080] =	vst v63  }
0xcf: {  	_ =	swait.ge [sflag:s7], $0xC000  }
0xd0: {  	[sflag:s7] =	ssyncset.done $0x0  }
0xd1: {  	s6 =	sadd.s32 $0xFFFFFFFF, s6;
	[sflag:s7] =	ssyncadd.s32 $0xFFFF4000  }
0xd2: {  	_ =	sfence.sel $0x180000  }
0xd3: {  	[bflag:$0x0] =	sbarrier.arrive $0xFFFF  }
0xd4: {  	_ =	strace $0x9000004D  }
0xd5: {  	s0 =	stileid.u32;
	[bflag:$0x2] =	sbarrier.arrive $0xFFFF  }
0xd6: {  	p0 =	sne.s32 s0, $0x0;
	s0 =	rddreg [dreg:$0x2]  }
0xd7: {  	s0 =	sadd.s32 @!p0 $0x100000, s0  }
0xd8: {  	[sflag:s0] =	ssyncadd.tile.s32 @!p0 $0x1;
	_ =	shalt  }
.Lfunc_end2:
_tile_overlayer_lowered:
.L_overlay_start_2:
0xd9: {  	(tag) =	ssettag $0x2  }
0xda: {  	s0 =	rddreg [dreg:$0x0];
	s2 =	stileid.u32  }
0xdb: {  	s1 =	rddreg [dreg:$0x1];
	p0 =	sne.s32 s2, $0x0  }
0xdc: {  	s3 =	rddreg [dreg:$0x2];
	[bflag:$0x3] =	sbarrier.arrive $0xFFFF;
	s2 =	simm.s32 @!p0 $0x1C03  }
0xdd: {  	[timem:s3], [sflag:s2] =	dma.local @!p0 [hbm:s0], s1  }
0xde: {  	s0 =	simm.s32 @!p0 $0x3  }
0xdf: {  	_ =	swait.ge @!p0 [sflag:s0], s1  }
0xe0: {  	s1 =	ssub.s32 @!p0 $0x0, s1;
	[sflag:s0] =	ssyncset.done @!p0 $0x0  }
0xe1: {  	[sflag:s0] =	ssyncadd.s32 @!p0 s1  }
0xe2: {  	[bflag:$0x3] =	sbarrier.arrive $0xFFFF  }
0xe3: {  	_ =	shalt  }

// kernel: kernel.19.cloned.1.call-start
scs
__scs_entry_jumppad:
0x0: {  	(pc) =	sbr.rel $0x88, $3  }
0x1: {  	(tag) =	ssettag $0x0;
	lr =	simm.s32 $0x1  }
0x2: {  	[smem:$0x3F9C] =	sst lr;
	_ =	strace $0xD0000000  }
0x3: {  	_ = 	snop  }
0x4: {  	_ = 	snop  }
0x5: {  	_ = 	snop  }
0x6: {  	_ = 	snop  }
0x7: {  	_ = 	snop  }
__scs_overlays_trampoline_lowered:
0x8: {  	[smem:$0x3FAB] =	sst s0  }
0x9: {  	[smem:$0x3FAC] =	sst s1  }
0xa: {  	[smem:$0x3FAD] =	sst s2  }
0xb: {  	[smem:$0x3FAE] =	sst s3  }
0xc: {  	[smem:$0x3FAF] =	sst s4  }
0xd: {  	[smem:$0x3FB0] =	sst s5  }
0xe: {  	[smem:$0x3FB1] =	sst s6  }
0xf: {  	[smem:$0x3FB2] =	sst s7  }
0x10: {  	[smem:$0x3FB3] =	sst s8  }
0x11: {  	[smem:$0x3FB4] =	sst s9;
	s0 =	simm.s32 @!p0 $0x0  }
0x12: {  	s1 =	sld [smem:$0x3F9A];
	s0 =	simm.s32 @p0 $0x1  }
0x13: {  	[smem:$0x3FB5] =	sst s0;
	s0 =	simm.s32 @!p1 $0x0  }
0x14: {  	s2 =	sld [smem:$0x3F99];
	s0 =	simm.s32 @p1 $0x1  }
0x15: {  	[smem:$0x3FB6] =	sst s0;
	s0 =	simm.s32 @!p2 $0x0  }
0x16: {  	s3 =	sld [smem:$0x3FDB];
	s0 =	simm.s32 @p2 $0x1  }
0x17: {  	s4 =	simm.s32 $0x1BF5;
	[smem:$0x3FB8] =	sst s0  }
0x18: {  	s0 =	sld [smem:$0x3F9B];
	_ =	swait.ge [sflag:s4], $0x0  }
0x19: {  	s7 =	sld [smem:$0x3F9C]  }
0x1a: {  	s8 =	sadd.s32 $0xFFFFE003, lr  }
0x1b: {  	s9 =	sadd.s32 $0xFFFFFEF7, lr;
	s5 =	simm.s32 $0xFFFFFFFF;
	p2 =	slt.u32 s8, $0xFFFFF086  }
0x1c: {  	p1 =	slt.u32 s9, $0xF7A;
	s5 =	simm.s32 @!p2 $0x0  }
0x1d: {  	s5 =	simm.s32 @p1 $0x1;
	p0 =	seq.s32 s7, s2  }
0x1e: {  	s7 =	smul.u32 @!p0 $0xF7A, s2;
	p2 =	seq.s32 @!p0 s5, $0x0  }
0x1f: {  	s9 =	smul.u32 $0xF7A, s1;
	s8 =	simm.s32 @!p0 $0x1BF5;
	p2 =	por !p2, p0  }
0x20: {  	[sflag:s8] =	ssyncset.s32 @!p0 $0xFFFFF086;
	s6 =	sadd.s32 @!p0 s3, s7;
	s7 =	simm.s32 @!p0 $0x108  }
0x21: {  	s3 =	sadd.s32 s3, s9;
	s6 =	sadd.s32 @!p0 $0x88, s6;
	s7 =	simm.s32 @p2 $0x1082  }
0x22: {  	[simem:s7], [sflag:s8] =	dma.local @!p0 [hbm:s6], $0xF7A  }
0x23: {  	s9 =	sor.u32 $0xD0000000, s2;
	s6 =	simm.s32 $0x108;
	_ =	swait.ge @!p0 [sflag:s8], $0x0  }
0x24: {  	s3 =	sadd.s32 $0x88, s3;
	s6 =	simm.s32 @!p1 $0x1082;
	[sflag:s4] =	ssyncset.s32 $0xFFFFF086  }
0x25: {  	[simem:s6], [sflag:s4] =	dma.local [hbm:s3], $0xF7A  }
0x26: {  	[smem:$0x3F9C] =	sst s1;
	(tag) =	ssettag s2;
	_ =	strace s9  }
0x27: {  	s1 =	sld [smem:$0x3FAC]  }
0x28: {  	s2 =	sld [smem:$0x3FAD]  }
0x29: {  	s4 =	sld [smem:$0x3FAF]  }
0x2a: {  	p0 =	seq.s32 s5, $0x0;
	s5 =	sld [smem:$0x3FB0]  }
0x2b: {  	s6 =	sld [smem:$0x3FB1]  }
0x2c: {  	s7 =	sld [smem:$0x3FB2]  }
0x2d: {  	s3 =	simm.s32 $0x108;
	s8 =	sld [smem:$0x3FB3]  }
0x2e: {  	s3 =	simm.s32 @!p0 $0x1082;
	s9 =	sld [smem:$0x3FB4]  }
0x2f: {  	lr =	sadd.s32 s0, s3;
	s0 =	sld [smem:$0x3FAB]  }
0x30: {  	s3 =	sld [smem:$0x3FAE]  }
0x31: {  	[smem:$0x3FB7] =	sst s10  }
0x32: {  	s10 =	sld [smem:$0x3FB5];
	_ =	sdelay $0x3  }
0x33: {  	p0 =	seq.s32 s10, $0x1;
	s10 =	sld [smem:$0x3FB7];
	_ =	sdelay $0x3  }
0x34: {  	[smem:$0x3FB7] =	sst s10  }
0x35: {  	s10 =	sld [smem:$0x3FB6];
	_ =	sdelay $0x3  }
0x36: {  	p1 =	seq.s32 s10, $0x1;
	s10 =	sld [smem:$0x3FB7];
	_ =	sdelay $0x3  }
0x37: {  	[smem:$0x3FB7] =	sst s10  }
0x38: {  	s10 =	sld [smem:$0x3FB8]  }
0x39: {  	_ = 	snop;
	(pc) =	sbr.ind lr, $3  }
0x3a: {  	_ = 	snop  }
0x3b: {  	_ = 	snop  }
0x3c: {  	p2 =	seq.s32 s10, $0x1;
	s10 =	sld [smem:$0x3FB7]  }
0x3d: {  	_ =	shalt  }
0x3e: {  	_ =	shalt  }
0x3f: {  	_ =	shalt  }
0x40: {  	_ =	shalt  }
0x41: {  	_ =	shalt  }
0x42: {  	_ =	shalt  }
0x43: {  	_ =	shalt  }
0x44: {  	_ =	shalt  }
0x45: {  	_ =	shalt  }
0x46: {  	_ =	shalt  }
0x47: {  	_ =	shalt  }
0x48: {  	_ =	shalt  }
0x49: {  	_ =	shalt  }
0x4a: {  	_ =	shalt  }
0x4b: {  	_ =	shalt  }
0x4c: {  	_ =	shalt  }
0x4d: {  	_ =	shalt  }
0x4e: {  	_ =	shalt  }
0x4f: {  	_ =	shalt  }
0x50: {  	_ =	shalt  }
0x51: {  	_ =	shalt  }
0x52: {  	_ =	shalt  }
0x53: {  	_ =	shalt  }
0x54: {  	_ =	shalt  }
0x55: {  	_ =	shalt  }
0x56: {  	_ =	shalt  }
0x57: {  	_ =	shalt  }
0x58: {  	_ =	shalt  }
0x59: {  	_ =	shalt  }
0x5a: {  	_ =	shalt  }
0x5b: {  	_ =	shalt  }
0x5c: {  	_ =	shalt  }
0x5d: {  	_ =	shalt  }
0x5e: {  	_ =	shalt  }
0x5f: {  	_ =	shalt  }
0x60: {  	_ =	shalt  }
0x61: {  	_ =	shalt  }
0x62: {  	_ =	shalt  }
0x63: {  	_ =	shalt  }
0x64: {  	_ =	shalt  }
0x65: {  	_ =	shalt  }
0x66: {  	_ =	shalt  }
0x67: {  	_ =	shalt  }
0x68: {  	_ =	shalt  }
0x69: {  	_ =	shalt  }
0x6a: {  	_ =	shalt  }
0x6b: {  	_ =	shalt  }
0x6c: {  	_ =	shalt  }
0x6d: {  	_ =	shalt  }
0x6e: {  	_ =	shalt  }
0x6f: {  	_ =	shalt  }
0x70: {  	_ =	shalt  }
0x71: {  	_ =	shalt  }
0x72: {  	_ =	shalt  }
0x73: {  	_ =	shalt  }
0x74: {  	_ =	shalt  }
0x75: {  	_ =	shalt  }
0x76: {  	_ =	shalt  }
0x77: {  	_ =	shalt  }
0x78: {  	_ =	shalt  }
0x79: {  	_ =	shalt  }
0x7a: {  	_ =	shalt  }
0x7b: {  	_ =	shalt  }
0x7c: {  	_ =	shalt  }
0x7d: {  	_ =	shalt  }
0x7e: {  	_ =	shalt  }
0x7f: {  	_ =	shalt  }
0x80: {  	_ =	shalt  }
0x81: {  	_ =	shalt  }
0x82: {  	_ =	shalt  }
0x83: {  	_ =	shalt  }
0x84: {  	_ =	shalt  }
0x85: {  	_ =	shalt  }
0x86: {  	_ =	shalt  }
0x87: {  	_ =	shalt  }
.Lfunc_end0:
.L_simem_size_0:
called_computation.3_lowered:
.L_overlay_start_0:
0x88: {  	s2 =	sld [smem:$0x3FD9]  }
0x89: {  	s3 =	sld [smem:$0x3FFE];
	_ =	sdelay $0x1  }
0x8a: {  	s1 =	srdreg.scid  }
0x8b: {  	s0 =	sand.u32 $0x1, s1  }
0x8c: {  	s17 =	sshll.u32 s0, $0xA;
	s2 =	sadd.s32 s3, s2  }
0x8d: {  	s2 =	sadd.s32 s2, s17  }
0x8e: {  	[smem:$0x3FC3] =	sst s2  }
0x8f: {  	_ = 	snop  }
0x90: {  	s18 =	sld [smem:$0x3FC8];
	(tm) =	ssettm $0x1  }
0x91: {  	s19 =	sld [smem:$0x3FFB];
	_ =	sdelay $0x3  }
0x92: {  	_ =	strace s19  }
0x93: {  	s2 =	sld [smem:$0x3FFC];
	_ =	sdelay $0x3  }
0x94: {  	_ =	strace s2  }
0x95: {  	s2 =	sld [smem:$0x3FFD];
	_ =	sdelay $0x3  }
0x96: {  	_ =	strace s2  }
0x97: {  	_ =	strace $0x8FFFFFFF  }
0x98: {  	s20 =	sld [smem:$0x3FDB];
	_ =	sdelay $0x1  }
0x99: {  	s4 =	simm.s32 $_scs_section_size  }
0x9a: {  	s5 =	simm.s32 $_size__tile_overlayer_lowered;
	s6 =	simm.s32 $_tile_overlayer_lowered  }
0x9b: {  	s7 =	simm.s32 $0x1BFF;
	s21 =	sshll.u32 s6, $0x1;
	s4 =	sadd.s32 s4, s20  }
0x9c: {  	s22 =	simm.s32 $0x0;
	s5 =	sshll.u32 s5, $0x1;
	s6 =	sadd.s32 s21, s4  }
0x9d: {  	[timem:s22], [sflag:s7] =	dma.local [hbm:s6], s5  }
0x9e: {  	_ =	swait.ge [sflag:s7], s5  }
0x9f: {  	s5 =	ssub.s32 $0x0, s5;
	[sflag:s7] =	ssyncset.done $0x0  }
0xa0: {  	[sflag:s7] =	ssyncadd.s32 s5;
	_ =	sdelay $0x1  }
0xa1: {  	s23 =	simm.s32 $0x1B8B  }
0xa2: {  	_ =	swait.ge [sflag:s23], $0x1  }
0xa3: {  	[sflag:s23] =	ssyncset.done $0x0  }
0xa4: {  	[sflag:s23] =	ssyncadd.s32 $0xFFFFFFFF  }
0xa5: {  	s5 =	sld [smem:$0x0]  }
0xa6: {  	s6 =	sand.u32 $0xFFFFFFFE, s1  }
0xa7: {  	p0 =	sne.s32 s1, s6  }
0xa8: {  	s6 =	sshll.u32 @p0 s6, $0xE  }
0xa9: {  	s6 =	sadd.s32 @p0 $0x11B8D, s6;
	s7 =	sshll.u32 @p0 s5, $0x11  }
0xaa: {  	s6 =	sor.u32 @p0 s7, s6  }
0xab: {  	[sflag:s6] =	ssyncadd.remote.s32 @p0 $0x1;
	_ =	sdelay $0x1  }
0xac: {  	s6 =	simm.s32 @p0 $0x1B8D  }
0xad: {  	_ =	swait.eq @p0 [sflag:s6], $0x1  }
0xae: {  	[sflag:s6] =	ssyncadd.s32 @p0 $0xFFFFFFFF  }
0xaf: {  	s7 =	sshll.u32 @!p0 s1, $0xE  }
0xb0: {  	s7 =	sor.u32 @!p0 $0x4000, s7;
	s6 =	simm.s32 @!p0 $0x1B8D  }
0xb1: {  	s5 =	sshll.u32 @!p0 s5, $0x11;
	s7 =	sadd.s32 @!p0 $0x11B8D, s7;
	_ =	swait.eq @!p0 [sflag:s6], $0x1  }
0xb2: {  	s5 =	sor.u32 @!p0 s5, s7;
	[sflag:s6] =	ssyncadd.s32 @!p0 $0xFFFFFFFF  }
0xb3: {  	s25 =	simm.s32 $0x1B8E;
	s24 =	sld [smem:$0x3FFE];
	[sflag:s5] =	ssyncadd.remote.s32 @!p0 $0x1  }
0xb4: {  	s26 =	simm.s32 $execute0_lowered;
	[smem:$0x3FD2] =	sst s25  }
0xb5: {  	s6 =	sshll.u32 s26, $0x1;
	_ =	strace $0x8000004F;
	[dreg:$0x1] =	wrdreg $0xFFFFFFFF  }
0xb6: {  	s28 =	simm.s32 $_size_execute0_lowered;
	s4 =	sadd.s32 s4, s6;
	[dreg:$0x0] =	wrdreg $0x0  }
0xb7: {  	s6 =	sshll.u32 s28, $0x1;
	[dreg:$0x2] =	wrdreg s4  }
0xb8: {  	[dreg:$0x3] =	wrdreg s6  }
0xb9: {  	[dreg:$0x4] =	wrdreg $0xC0  }
0xba: {  	_ =	task [dreg:s22], $0x5FFFF  }
0xbb: {  	[dreg:$0x1] =	wrdreg $0xFFFFFFFF  }
0xbc: {  	[dreg:$0x0] =	wrdreg $0x60  }
0xbd: {  	[dreg:$0x2] =	wrdreg s18  }
0xbe: {  	[dreg:$0x3] =	wrdreg s24  }
0xbf: {  	[dreg:$0x4] =	wrdreg $0xC  }
0xc0: {  	_ =	task.clear_ibuf [dreg:s22], $0x5FFFF;
	_ =	strace $0x9000004F  }
0xc1: {  	s29 =	simm.s32 $0xC;
	_ =	strace $0x80000051  }
0xc2: {  	_ =	swait.ge [sflag:s29], $0x1  }
0xc3: {  	[sflag:s29] =	ssyncadd.s32 $0xFFFFFFFF  }
0xc4: {  	_ =	strace $0x90000051  }
0xc5: {  	_ =	sfence  }
0xc6: {  	s30 =	sld [smem:$0x0];
	_ =	sdelay $0x2  }
0xc7: {  	s31 =	sshll.u32 s1, $0xD;
	s1 =	sshrl.u32 s1, $0x2  }
0xc8: {  	s4 =	sand.u32 $0x4000, s31;
	s1 =	sadd.s32 s1, s30  }
0xc9: {  	s0 =	sor.u32 s4, s0;
	s1 =	sshll.u32 s1, $0x11  }
0xca: {  	s0 =	sor.u32 s1, s0  }
0xcb: {  	s0 =	sadd.s32 $0x8F2B, s0  }
0xcc: {  	[sflag:s0] =	ssyncadd.remote.s32 $0x1  }
0xcd: {  	_ =	sfence.sel $0xFFFF  }
0xce: {  	[dreg:$0x0] =	wrdreg $0xFFFFFFFF;
	(pc) =	sbr.abs _section_cstart, $3  }
0xcf: {  	[dreg:$0x1] =	wrdreg $0xFFFFFFFF  }
0xd0: {  	_ =	task.clear_ibuf [dreg:s22], $0x2FFFF;
	_ =	strace $0x9FFFFFFF  }
0xd1: {  	(tm) =	ssettm $0x7FFFFFFF  }
tec
execute0_lowered:
.L_overlay_start_1:
0x0: {  	(tag) =	ssettag $0x1  }
0x1: {  	s1 =	srdreg.scid  }
0x2: {  	s2 =	rddreg [dreg:$0x0];
	s0 =	stileid.u32  }
0x3: {  	s4 =	rddreg [dreg:$0x1];
	s3 =	simm.s32 $0x0;
	s8 =	simm.s32 $0x80  }
0x4: {  	s26 =	simm.s32 $0x880;
	s9 =	simm.s32 $0x1080;
	s10 =	simm.s32 $0x1880  }
0x5: {  	s11 =	simm.s32 $0x2080;
	s12 =	simm.s32 $0x2880;
	s13 =	simm.s32 $0x3080  }
0x6: {  	s14 =	simm.s32 $0x3880;
	s15 =	simm.s32 $0x4080;
	s16 =	simm.s32 $0x4880  }
0x7: {  	s17 =	simm.s32 $0x5080;
	s18 =	simm.s32 $0x5880;
	s19 =	simm.s32 $0x6080  }
0x8: {  	s20 =	simm.s32 $0x6880;
	s21 =	simm.s32 $0x7080;
	s22 =	simm.s32 $0x7880  }
0x9: {  	s23 =	simm.s32 $0x8080;
	s24 =	simm.s32 $0x8880;
	s28 =	simm.s32 $0xA080  }
0xa: {  	s29 =	simm.s32 $0xA880;
	s30 =	simm.s32 $0xB080;
	s31 =	simm.s32 $0xB880  }
0xb: {  	s1 =	sand.u32 $0x1, s1;
	s5 =	sshll.u32 s0, $0x4;
	[smem:$0x7FF] =	sst s3  }
0xc: {  	s6 =	sshll.u32 s1, $0x3;
	s1 =	ssub.s32 $0x2, s1;
	_ =	strace $0x80000050  }
0xd: {  	[dreg:$0x5] =	wrdreg s26;
	s26 =	simm.s32 $0x9880;
	s5 =	sor.u32 s6, s5  }
0xe: {  	s7 =	sshrl.u32 s1, $0x1;
	s6 =	smul.u32 $0x300, s5;
	s5 =	sadd.s32 s5, s4  }
0xf: {  	s1 =	ssub.s32 s1, s7;
	s7 =	simm.s32 $0x2;
	s25 =	sadd.s32 $0x2500, s5  }
0x10: {  	v2 =	vlaneseq.u32;
	s5 =	sadd.s32 $0x200, s2;
	s6 =	sadd.s32 s6, s4;
	[dreg:$0x3] =	wrdreg s25  }
0x11: {  	vm0 =	vmmov $0xffff;
	v1 =	vshrl.u32 v2, $0x3;
	s4 =	sadd.s32 $0x100, s2;
	s25 =	simm.s32 $0x9080;
	s6 =	sadd.s32 $0xC2600, s6  }
0x12: {  	v0 =	vand.u32 $0x7, v2;
	v2 =	vor.u32 $0x8, v2;
	v1 =	vmul.u32 $0x8, v1;
	[dreg:$0x4] =	wrdreg s6;
	s6 =	smax.u32 s1, $0x1;
	s1 =	simm.s32 $0x1  }
.LBB2_1:
0x13: {  	s0 =	rddreg [dreg:$0x3]  }
0x14: {  	[tilespmem:s3], [sflag:$0x2] =	stream.linear.gather [hbm4b:s0+s3], $0x40, $0x38;
	[tilespmem:$0xC080] =	vst v63  }
0x15: {  	_ =	swait.ge [sflag:s7], $0x40  }
0x16: {  	[sflag:s7] =	ssyncset.done $0x0  }
0x17: {  	[sflag:s7] =	ssyncadd.s32 $0xFFFFFFC0  }
0x18: {  	v3 =	vld [tilespmem:$0x0];
	_ =	sdelay $0x4  }
0x19: {  	v4 =	vshrl.u32 v3, $0x3  }
0x1a: {  	v4 =	vmul.u32 $0x30, v4  }
0x1b: {  	v3 =	vand.u32 $0x7, v3  }
0x1c: {  	v3 =	vor.u32 v3, v4  }
0x1d: {  	v4 =	vperm.xlane v3, v0;
	_ =	sdelay $0x1  }
0x1e: {  	v4 =	vadd.s32 v1, v4;
	_ =	sdelay $0x3  }
0x1f: {  	v3 =	vperm.xlane v3, v2  }
0x20: {  	[tilespmem:s8], [sflag:$0x1] =	stream.indirect_vreg.gather [hbm4b:s2+s3], $0x80, v4, vm0, $0xb8;
	[tilespmem:$0xC080] =	vst v63  }
0x21: {  	s0 =	rddreg [dreg:$0x5];
	v3 =	vadd.s32 v1, v3  }
0x22: {  	[tilespmem:s0], [sflag:$0x1] =	stream.indirect_vreg.gather [hbm4b:s4+s3], $0x80, v4, vm0, $0xb8;
	[tilespmem:$0xC080] =	vst v63  }
0x23: {  	_ = 	snop  }
0x24: {  	[tilespmem:s9], [sflag:$0x1] =	stream.indirect_vreg.gather [hbm4b:s5+s3], $0x80, v4, vm0, $0xb8;
	[tilespmem:$0xC080] =	vst v63  }
0x25: {  	_ = 	snop  }
0x26: {  	[tilespmem:s10], [sflag:$0x1] =	stream.indirect_vreg.gather [hbm4b:s2+s3], $0x80, v3, vm0, $0xb8;
	[tilespmem:$0xC080] =	vst v63  }
0x27: {  	_ = 	snop  }
0x28: {  	[tilespmem:s11], [sflag:$0x1] =	stream.indirect_vreg.gather [hbm4b:s4+s3], $0x80, v3, vm0, $0xb8;
	[tilespmem:$0xC080] =	vst v63  }
0x29: {  	_ = 	snop  }
0x2a: {  	[tilespmem:s12], [sflag:$0x1] =	stream.indirect_vreg.gather [hbm4b:s5+s3], $0x80, v3, vm0, $0xb8;
	[tilespmem:$0xC080] =	vst v63  }
0x2b: {  	v3 =	vld [tilespmem:$0x10];
	_ =	sdelay $0x4  }
0x2c: {  	v61 =	vshrl.u32 v3, $0x3  }
0x2d: {  	v4 =	vmul.u32 $0x30, v61  }
0x2e: {  	v3 =	vand.u32 $0x7, v3  }
0x2f: {  	v3 =	vor.u32 v3, v4  }
0x30: {  	v4 =	vperm.xlane v3, v0;
	_ =	sdelay $0x1  }
0x31: {  	v4 =	vadd.s32 v1, v4;
	_ =	sdelay $0x3  }
0x32: {  	v3 =	vperm.xlane v3, v2  }
0x33: {  	[tilespmem:s13], [sflag:$0x1] =	stream.indirect_vreg.gather [hbm4b:s2+s3], $0x80, v4, vm0, $0xb8;
	[tilespmem:$0xC080] =	vst v63  }
0x34: {  	v3 =	vadd.s32 v1, v3  }
0x35: {  	[tilespmem:s14], [sflag:$0x1] =	stream.indirect_vreg.gather [hbm4b:s4+s3], $0x80, v4, vm0, $0xb8;
	[tilespmem:$0xC080] =	vst v63  }
0x36: {  	_ = 	snop  }
0x37: {  	[tilespmem:s15], [sflag:$0x1] =	stream.indirect_vreg.gather [hbm4b:s5+s3], $0x80, v4, vm0, $0xb8;
	[tilespmem:$0xC080] =	vst v63  }
0x38: {  	_ = 	snop  }
0x39: {  	[tilespmem:s16], [sflag:$0x1] =	stream.indirect_vreg.gather [hbm4b:s2+s3], $0x80, v3, vm0, $0xb8;
	[tilespmem:$0xC080] =	vst v63  }
0x3a: {  	_ = 	snop  }
0x3b: {  	[tilespmem:s17], [sflag:$0x1] =	stream.indirect_vreg.gather [hbm4b:s4+s3], $0x80, v3, vm0, $0xb8;
	[tilespmem:$0xC080] =	vst v63  }
0x3c: {  	_ = 	snop  }
0x3d: {  	[tilespmem:s18], [sflag:$0x1] =	stream.indirect_vreg.gather [hbm4b:s5+s3], $0x80, v3, vm0, $0xb8;
	[tilespmem:$0xC080] =	vst v63  }
0x3e: {  	v3 =	vld [tilespmem:$0x20];
	_ =	sdelay $0x4  }
0x3f: {  	v62 =	vshrl.u32 v3, $0x3  }
0x40: {  	v4 =	vmul.u32 $0x30, v62  }
0x41: {  	v3 =	vand.u32 $0x7, v3  }
0x42: {  	v3 =	vor.u32 v3, v4  }
0x43: {  	v4 =	vperm.xlane v3, v0;
	_ =	sdelay $0x1  }
0x44: {  	v4 =	vadd.s32 v1, v4;
	_ =	sdelay $0x3  }
0x45: {  	v3 =	vperm.xlane v3, v2  }
0x46: {  	[tilespmem:s19], [sflag:$0x1] =	stream.indirect_vreg.gather [hbm4b:s2+s3], $0x80, v4, vm0, $0xb8;
	[tilespmem:$0xC080] =	vst v63  }
0x47: {  	v3 =	vadd.s32 v1, v3  }
0x48: {  	[tilespmem:s20], [sflag:$0x1] =	stream.indirect_vreg.gather [hbm4b:s4+s3], $0x80, v4, vm0, $0xb8;
	[tilespmem:$0xC080] =	vst v63  }
0x49: {  	_ = 	snop  }
0x4a: {  	[tilespmem:s21], [sflag:$0x1] =	stream.indirect_vreg.gather [hbm4b:s5+s3], $0x80, v4, vm0, $0xb8;
	[tilespmem:$0xC080] =	vst v63  }
0x4b: {  	_ = 	snop  }
0x4c: {  	[tilespmem:s22], [sflag:$0x1] =	stream.indirect_vreg.gather [hbm4b:s2+s3], $0x80, v3, vm0, $0xb8;
	[tilespmem:$0xC080] =	vst v63  }
0x4d: {  	_ = 	snop  }
0x4e: {  	[tilespmem:s23], [sflag:$0x1] =	stream.indirect_vreg.gather [hbm4b:s4+s3], $0x80, v3, vm0, $0xb8;
	[tilespmem:$0xC080] =	vst v63  }
0x4f: {  	_ = 	snop  }
0x50: {  	[tilespmem:s24], [sflag:$0x1] =	stream.indirect_vreg.gather [hbm4b:s5+s3], $0x80, v3, vm0, $0xb8;
	[tilespmem:$0xC080] =	vst v63  }
0x51: {  	v3 =	vld [tilespmem:$0x30];
	_ =	sdelay $0x4  }
0x52: {  	v63 =	vshrl.u32 v3, $0x3  }
0x53: {  	v4 =	vmul.u32 $0x30, v63  }
0x54: {  	v3 =	vand.u32 $0x7, v3  }
0x55: {  	v3 =	vor.u32 v3, v4  }
0x56: {  	v4 =	vperm.xlane v3, v0;
	_ =	sdelay $0x1  }
0x57: {  	v4 =	vadd.s32 v1, v4;
	_ =	sdelay $0x3  }
0x58: {  	v3 =	vperm.xlane v3, v2  }
0x59: {  	[tilespmem:s25], [sflag:$0x1] =	stream.indirect_vreg.gather [hbm4b:s2+s3], $0x80, v4, vm0, $0xb8;
	[tilespmem:$0xC080] =	vst v63  }
0x5a: {  	v3 =	vadd.s32 v1, v3  }
0x5b: {  	[tilespmem:s26], [sflag:$0x1] =	stream.indirect_vreg.gather [hbm4b:s4+s3], $0x80, v4, vm0, $0xb8;
	[tilespmem:$0xC080] =	vst v63  }
0x5c: {  	_ = 	snop  }
0x5d: {  	[tilespmem:s28], [sflag:$0x1] =	stream.indirect_vreg.gather [hbm4b:s5+s3], $0x80, v4, vm0, $0xb8;
	[tilespmem:$0xC080] =	vst v63  }
0x5e: {  	_ = 	snop  }
0x5f: {  	[tilespmem:s29], [sflag:$0x1] =	stream.indirect_vreg.gather [hbm4b:s2+s3], $0x80, v3, vm0, $0xb8;
	[tilespmem:$0xC080] =	vst v63  }
0x60: {  	_ = 	snop  }
0x61: {  	[tilespmem:s30], [sflag:$0x1] =	stream.indirect_vreg.gather [hbm4b:s4+s3], $0x80, v3, vm0, $0xb8;
	[tilespmem:$0xC080] =	vst v63  }
0x62: {  	_ = 	snop  }
0x63: {  	[tilespmem:s31], [sflag:$0x1] =	stream.indirect_vreg.gather [hbm4b:s5+s3], $0x80, v3, vm0, $0xb8;
	[tilespmem:$0xC080] =	vst v63  }
0x64: {  	_ =	swait.ge [sflag:s1], $0xC000  }
0x65: {  	p0 =	sne.s32 s6, $0x1;
	[sflag:s1] =	ssyncset.done $0x0  }
.Ltmp0:
0x66: {  	s0 =	rddreg [dreg:$0x4];
	[sflag:s1] =	ssyncadd.s32 $0xFFFF4000;
	(pc) =	sbr.rel @p0 .LBB2_1-.Ltmp0, $4  }
0x67: {  	[hbm4b:s0+s3] =	stream.linear.scatter [tilespmem:s8], [sflag:$0x2], $0xC000, $0x38;
	[tilespmem:$0xC080] =	vst v63  }
0x68: {  	_ =	swait.ge [sflag:s7], $0xC000  }
0x69: {  	[sflag:s7] =	ssyncset.done $0x0  }
0x6a: {  	s6 =	sadd.s32 $0xFFFFFFFF, s6;
	[sflag:s7] =	ssyncadd.s32 $0xFFFF4000  }
0x6b: {  	_ =	sfence.sel $0x180000  }
0x6c: {  	[bflag:$0x0] =	sbarrier.arrive $0xFFFF  }
0x6d: {  	_ =	strace $0x90000050  }
0x6e: {  	s0 =	stileid.u32;
	[bflag:$0x2] =	sbarrier.arrive $0xFFFF  }
0x6f: {  	p0 =	sne.s32 s0, $0x0;
	s0 =	rddreg [dreg:$0x2]  }
0x70: {  	s0 =	sadd.s32 @!p0 $0x100000, s0  }
0x71: {  	[sflag:s0] =	ssyncadd.tile.s32 @!p0 $0x1;
	_ =	shalt  }
.Lfunc_end2:
_tile_overlayer_lowered:
.L_overlay_start_2:
0x72: {  	(tag) =	ssettag $0x2  }
0x73: {  	s0 =	rddreg [dreg:$0x0];
	s2 =	stileid.u32  }
0x74: {  	s1 =	rddreg [dreg:$0x1];
	p0 =	sne.s32 s2, $0x0  }
0x75: {  	s3 =	rddreg [dreg:$0x2];
	[bflag:$0x3] =	sbarrier.arrive $0xFFFF;
	s2 =	simm.s32 @!p0 $0x1C02  }
0x76: {  	[timem:s3], [sflag:s2] =	dma.local @!p0 [hbm:s0], s1  }
0x77: {  	s0 =	simm.s32 @!p0 $0x2  }
0x78: {  	_ =	swait.ge @!p0 [sflag:s0], s1  }
0x79: {  	s1 =	ssub.s32 @!p0 $0x0, s1;
	[sflag:s0] =	ssyncset.done @!p0 $0x0  }
0x7a: {  	[sflag:s0] =	ssyncadd.s32 @!p0 s1  }
0x7b: {  	[bflag:$0x3] =	sbarrier.arrive $0xFFFF  }
0x7c: {  	_ =	shalt  }

</sc_bundles>
